<compile_context>
chip_gen: v7x
topology: tpu7x:2x2x1
jax: 0.10.2.dev20260603
libtpu: 0.0.44.dev20260713+nightly
codegen_flags: <defaults>
</compile_context>

<pallas_src>
import functools

import jax
import jax.numpy as jnp
from jax import lax
from jax.experimental import pallas as pl
from jax.experimental.pallas import tpu as pltpu
from jax.experimental.pallas import tpu_sc as plsc


@functools.cache
def _make_gather(D, L):
    info = plsc.get_sparse_core_info()
    NC, NS, NL = info.num_cores, info.num_subcores, info.num_lanes
    NW = NC * NS
    SLABS = D // 8
    QW = NW // SLABS
    CPW = L // QW
    KT = L // 128
    KO = CPW // 128
    NV = CPW // NL
    mesh = plsc.VectorSubcoreMesh(core_axis_name="c", subcore_axis_name="s")

    @functools.partial(
        pl.kernel,
        mesh=mesh,
        out_type=jax.ShapeDtypeStruct((D, L), jnp.float32),
        scratch_types=[
            pltpu.VMEM((CPW,), jnp.int32),
            pltpu.VMEM((8, L), jnp.float32),
            pltpu.VMEM((KO, 8, 128), jnp.float32),
            pltpu.SemaphoreType.DMA,
            pltpu.SemaphoreType.DMA,
            pltpu.SemaphoreType.DMA,
        ],
        compiler_params=pltpu.CompilerParams(
            needs_layout_passes=False,
            disable_bounds_checks=True,
            disable_semaphore_checks=True,
        ),
    )
    def gather_kernel(tab_hbm, idx_hbm, out_hbm, idx_v, slab_v, obuf_v,
                      isem, gsem, wsem):
        wid = lax.axis_index("s") * NC + lax.axis_index("c")
        s = wid // QW
        q = wid % QW
        icopy = pltpu.make_async_copy(
            idx_hbm.at[0, pl.ds(q * CPW, CPW)], idx_v, isem)
        icopy.start()
        scopy = pltpu.make_async_copy(
            tab_hbm.at[pl.ds(8 * s, 8), :],
            slab_v,
            gsem,
        )
        scopy.start()
        icopy.wait()
        scopy.wait()

        dsplat = [jnp.full((NL,), d, jnp.int32) for d in range(8)]

        def body(k, _):
            for j in range(8):
                v = k * 8 + j
                ivec = idx_v[pl.ds(v * NL, NL)]
                for d in range(8):
                    val = plsc.load_gather(slab_v, [dsplat[d], ivec])
                    obuf_v[k, d, pl.ds(j * NL, NL)] = val
            pltpu.make_async_copy(
                obuf_v.at[k],
                out_hbm.at[pl.ds(8 * s, 8),
                           pl.ds(128 * (KO * q + k), 128)],
                wsem,
            ).start()
            return _

        lax.fori_loop(0, KO, body, 0)

        for k in range(KO):
            pltpu.make_async_copy(
                obuf_v.at[k],
                out_hbm.at[pl.ds(8 * s, 8), pl.ds(128 * (KO * q + k), 128)],
                wsem,
            ).wait()

    return gather_kernel


def kernel(x, device, table, pe):
    L = x.shape[1]
    D = table.shape[1]
    out_t = _make_gather(D, L)(table.T, pe)
    return out_t.T.reshape(1, L, D)

# --- scband reference (transcript-rebuilt; emitter-appended) ---
"""Pipeline reference for scband-position-embedding-78563541778774 (READ-ONLY COPY).

The authoritative reference and input builder live on the scoring server;
editing this copy changes nothing except your own understanding.
"""

import jax, jax.numpy as jnp
import numpy as np

EMB_SIZE = 64
MAXLENGTH = 8192

def setup_inputs(seed: int = 0) -> dict:
    key = jax.random.key(seed)
    k1, k2 = jax.random.split(key)
    x = jax.random.normal(k1, (4, 8192), dtype=jnp.float32)
    # learned embedding table per init_kwargs (maxlength, emb_size)
    table = jax.random.normal(k2, (MAXLENGTH, EMB_SIZE), dtype=jnp.float32) * 0.02
    # registered buffer pe = arange(maxlength)[None, :]
    pe = jnp.arange(MAXLENGTH, dtype=jnp.int32)[None, :]
    device = 0  # unused scalar arg, mirrors the torch forward signature
    return {"x": x, "device": device, "table": table, "pe": pe}

def reference(x, device, table, pe):
    # pe[:, :x.size(1)] then embedding lookup -> [1, L, emb_size]
    idx = pe[:, :x.shape[1]]
    out = jnp.take(table, idx, axis=0)
    return out

if __name__ == "__main__":
    import jax
    _d = setup_inputs()
    print(jax.jit(kernel)(*tuple(_d.values())))

</pallas_src>

<mosaic_0001>
#map = affine_map<(d0, d1) -> (0, 0)>
module attributes {stable_mosaic.version = 14 : i64} {
  func.func @gather_kernel(%arg0: i32, %arg1: i32, %arg2: memref<64x8192xf32, #tpu.memory_space<hbm>>, %arg3: memref<1x8192xi32, #tpu.memory_space<hbm>>, %arg4: memref<64x8192xf32, #tpu.memory_space<hbm>>, %arg5: memref<2048xi32, #tpu.memory_space<vmem>>, %arg6: memref<8x8192xf32, #tpu.memory_space<vmem>>, %arg7: memref<16x8x128xf32, #tpu.memory_space<vmem>>, %arg8: memref<!tpu.dma_semaphore, #tpu.memory_space<semaphore_mem>>, %arg9: memref<!tpu.dma_semaphore, #tpu.memory_space<semaphore_mem>>, %arg10: memref<!tpu.dma_semaphore, #tpu.memory_space<semaphore_mem>>) attributes {dimension_semantics = [#tpu.dimension_semantics<core_parallel>, #tpu.dimension_semantics<subcore_parallel>], iteration_bounds = array<i64: 2, 16>, scalar_prefetch = 0 : i64, scratch_operands = 6 : i64, tpu.core_type = #tpu.core_type<sc_vector_subcore>, window_params = [{transform_indices = #map}, {transform_indices = #map}, {transform_indices = #map}]} {
    %mul3A = arith.constant 2 : i32
    %mul3A_0 = arith.muli %arg1, %mul3A : i32
    %add3A = arith.addi %mul3A_0, %arg0 : i32
    %jit3A = arith.constant 4 : i32
    %div3A = arith.divsi %add3A, %jit3A : i32
    %sign3A = arith.constant 0 : i32
    %sign3A_1 = arith.cmpi sgt, %add3A, %sign3A : i32
    %sign3A_2 = arith.extui %sign3A_1 : i1 to i32
    %sign3A_3 = arith.constant 0 : i32
    %sign3A_4 = arith.cmpi slt, %add3A, %sign3A_3 : i32
    %sign3A_5 = arith.extui %sign3A_4 : i1 to i32
    %sign3A_6 = arith.subi %sign3A_2, %sign3A_5 : i32
    %sign3A_7 = arith.constant 0 : i32
    %sign3A_8 = arith.cmpi sgt, %jit3A, %sign3A_7 : i32
    %sign3A_9 = arith.extui %sign3A_8 : i1 to i32
    %sign3A_10 = arith.constant 0 : i32
    %sign3A_11 = arith.cmpi slt, %jit3A, %sign3A_10 : i32
    %sign3A_12 = arith.extui %sign3A_11 : i1 to i32
    %sign3A_13 = arith.subi %sign3A_9, %sign3A_12 : i32
    %ne3A = arith.cmpi ne, %sign3A_6, %sign3A_13 : i32
    %rem3A = arith.remsi %add3A, %jit3A : i32
    %ne3A_14 = arith.constant 0 : i32
    %ne3A_15 = arith.cmpi ne, %rem3A, %ne3A_14 : i32
    %and3A = arith.andi %ne3A, %ne3A_15 : i1
    %sub3A = arith.constant 1 : i32
    %sub3A_16 = arith.subi %div3A, %sub3A : i32
    %select_n3A = arith.select %and3A, %sub3A_16, %div3A : i32
    %jit3A_17 = arith.constant 4 : i32
    %eq3A = arith.constant 0 : i32
    %eq3A_18 = arith.cmpi eq, %jit3A_17, %eq3A : i32
    %jit3A_19 = arith.constant 1 : i32
    %select_n3A_20 = arith.select %eq3A_18, %jit3A_19, %jit3A_17 : i32
    %rem3A_21 = arith.remsi %add3A, %select_n3A_20 : i32
    %ne3A_22 = arith.constant 0 : i32
    %ne3A_23 = arith.cmpi ne, %rem3A_21, %ne3A_22 : i32
    %lt3A = arith.constant 0 : i32
    %lt3A_24 = arith.cmpi slt, %rem3A_21, %lt3A : i32
    %lt3A_25 = arith.constant 0 : i32
    %lt3A_26 = arith.cmpi slt, %select_n3A_20, %lt3A_25 : i32
    %ne3A_27 = arith.xori %lt3A_24, %lt3A_26 : i1
    %and3A_28 = arith.andi %ne3A_27, %ne3A_23 : i1
    %add3A_29 = arith.addi %rem3A_21, %select_n3A_20 : i32
    %select_n3A_30 = arith.select %and3A_28, %add3A_29, %rem3A_21 : i32
    %mul3A_31 = arith.constant 2048 : i32
    %mul3A_32 = arith.muli %select_n3A_30, %mul3A_31 : i32
    %dma_start3A = arith.constant 0 : i32
    %dma_start3A_33 = tpu.memref_slice %arg3[%dma_start3A, %mul3A_32] : memref<1x8192xi32, #tpu.memory_space<hbm>> -> memref<1x2048xi32, #tpu.memory_space<hbm>>
    %dma_start3A_34 = tpu.memref_squeeze %dma_start3A_33 : memref<1x2048xi32, #tpu.memory_space<hbm>> -> memref<2048xi32, #tpu.memory_space<hbm>>
    %dma_start3A_35 = tpu.memref_slice %arg3[%dma_start3A, %mul3A_32] : memref<1x8192xi32, #tpu.memory_space<hbm>> -> memref<1x2048xi32, #tpu.memory_space<hbm>>
    %dma_start3A_36 = tpu.memref_squeeze %dma_start3A_35 : memref<1x2048xi32, #tpu.memory_space<hbm>> -> memref<2048xi32, #tpu.memory_space<hbm>>
    tpu.enqueue_dma source(%dma_start3A_36 : memref<2048xi32, #tpu.memory_space<hbm>>) target(%arg5 : memref<2048xi32, #tpu.memory_space<vmem>>) target_semaphore(%arg8 : memref<!tpu.dma_semaphore, #tpu.memory_space<semaphore_mem>>)
    %mul3A_37 = arith.constant 8 : i32
    %mul3A_38 = arith.muli %mul3A_37, %select_n3A : i32
    %dma_start3A_39 = arith.constant 0 : i32
    %dma_start3A_40 = tpu.memref_slice %arg2[%mul3A_38, %dma_start3A_39] : memref<64x8192xf32, #tpu.memory_space<hbm>> -> memref<8x8192xf32, #tpu.memory_space<hbm>>
    %dma_start3A_41 = arith.constant 0 : i32
    %dma_start3A_42 = tpu.memref_slice %arg2[%mul3A_38, %dma_start3A_41] : memref<64x8192xf32, #tpu.memory_space<hbm>> -> memref<8x8192xf32, #tpu.memory_space<hbm>>
    tpu.enqueue_dma source(%dma_start3A_42 : memref<8x8192xf32, #tpu.memory_space<hbm>>) target(%arg6 : memref<8x8192xf32, #tpu.memory_space<vmem>>) target_semaphore(%arg9 : memref<!tpu.dma_semaphore, #tpu.memory_space<semaphore_mem>>)
    %dma_wait3A = arith.constant 0 : i32
    %dma_wait3A_43 = tpu.memref_slice %arg3[%dma_wait3A, %mul3A_32] : memref<1x8192xi32, #tpu.memory_space<hbm>> -> memref<1x2048xi32, #tpu.memory_space<hbm>>
    %dma_wait3A_44 = tpu.memref_squeeze %dma_wait3A_43 : memref<1x2048xi32, #tpu.memory_space<hbm>> -> memref<2048xi32, #tpu.memory_space<hbm>>
    %dma_wait3A_45 = tpu.memref_slice %arg3[%dma_wait3A, %mul3A_32] : memref<1x8192xi32, #tpu.memory_space<hbm>> -> memref<1x2048xi32, #tpu.memory_space<hbm>>
    %dma_wait3A_46 = tpu.memref_squeeze %dma_wait3A_45 : memref<1x2048xi32, #tpu.memory_space<hbm>> -> memref<2048xi32, #tpu.memory_space<hbm>>
    tpu.wait_dma2 semaphore(%arg8 : memref<!tpu.dma_semaphore, #tpu.memory_space<semaphore_mem>>) src(%dma_wait3A_46 : memref<2048xi32, #tpu.memory_space<hbm>>) dst(%arg5 : memref<2048xi32, #tpu.memory_space<vmem>>)
    %dma_wait3A_47 = arith.constant 0 : i32
    %dma_wait3A_48 = tpu.memref_slice %arg2[%mul3A_38, %dma_wait3A_47] : memref<64x8192xf32, #tpu.memory_space<hbm>> -> memref<8x8192xf32, #tpu.memory_space<hbm>>
    %dma_wait3A_49 = arith.constant 0 : i32
    %dma_wait3A_50 = tpu.memref_slice %arg2[%mul3A_38, %dma_wait3A_49] : memref<64x8192xf32, #tpu.memory_space<hbm>> -> memref<8x8192xf32, #tpu.memory_space<hbm>>
    tpu.wait_dma2 semaphore(%arg9 : memref<!tpu.dma_semaphore, #tpu.memory_space<semaphore_mem>>) src(%dma_wait3A_50 : memref<8x8192xf32, #tpu.memory_space<hbm>>) dst(%arg6 : memref<8x8192xf32, #tpu.memory_space<vmem>>)
    %broadcast_in_dim3A = arith.constant 0 : i32
    %broadcast_in_dim3A_51 = vector.broadcast %broadcast_in_dim3A : i32 to vector<16xi32>
    %broadcast_in_dim3A_52 = arith.constant 1 : i32
    %broadcast_in_dim3A_53 = vector.broadcast %broadcast_in_dim3A_52 : i32 to vector<16xi32>
    %broadcast_in_dim3A_54 = arith.constant 2 : i32
    %broadcast_in_dim3A_55 = vector.broadcast %broadcast_in_dim3A_54 : i32 to vector<16xi32>
    %broadcast_in_dim3A_56 = arith.constant 3 : i32
    %broadcast_in_dim3A_57 = vector.broadcast %broadcast_in_dim3A_56 : i32 to vector<16xi32>
    %broadcast_in_dim3A_58 = arith.constant 4 : i32
    %broadcast_in_dim3A_59 = vector.broadcast %broadcast_in_dim3A_58 : i32 to vector<16xi32>
    %broadcast_in_dim3A_60 = arith.constant 5 : i32
    %broadcast_in_dim3A_61 = vector.broadcast %broadcast_in_dim3A_60 : i32 to vector<16xi32>
    %broadcast_in_dim3A_62 = arith.constant 6 : i32
    %broadcast_in_dim3A_63 = vector.broadcast %broadcast_in_dim3A_62 : i32 to vector<16xi32>
    %broadcast_in_dim3A_64 = arith.constant 7 : i32
    %broadcast_in_dim3A_65 = vector.broadcast %broadcast_in_dim3A_64 : i32 to vector<16xi32>
    %scan3A = arith.constant 0 : i32
    %scan3A_66 = arith.constant 0 : i32
    %scan3A_67 = arith.constant 16 : i32
    %scan3A_68 = arith.addi %scan3A_66, %scan3A_67 : i32
    %scan3A_69 = arith.constant 1 : i32
    scf.for %scan3A_375 = %scan3A_66 to %scan3A_68 step %scan3A_69  : i32 {
      %mul3A_376 = arith.constant 8 : i32
      %mul3A_377 = arith.muli %scan3A_375, %mul3A_376 : i32
      %add3A_378 = arith.constant 0 : i32
      %add3A_379 = arith.addi %mul3A_377, %add3A_378 : i32
      %mul3A_380 = arith.constant 16 : i32
      %mul3A_381 = arith.muli %add3A_379, %mul3A_380 : i32
      %get3A = arith.index_cast %mul3A_381 : i32 to index
      %get3A_382 = tpu.vector_load %arg5[%get3A] {strides = array<i32>} : memref<2048xi32, #tpu.memory_space<vmem>>, vector<16xi32>,
      %gather3A = tpu.vector_load_idx %arg6[%broadcast_in_dim3A_51, %get3A_382] : memref<8x8192xf32, #tpu.memory_space<vmem>>[vector<16xi32>, vector<16xi32>], vector<16xf32>,
      %swap3A = arith.constant 0 : i32
      %swap3A_383 = arith.index_cast %scan3A_375 : i32 to index
      %swap3A_384 = arith.index_cast %swap3A : i32 to index
      %swap3A_385 = arith.constant 0 : index
      %swap3A_386 = tpu.vector_load %arg7[%swap3A_383, %swap3A_384, %swap3A_385] {strides = array<i32>} : memref<16x8x128xf32, #tpu.memory_space<vmem>>, vector<16xf32>,
      tpu.vector_store %arg7[%swap3A_383, %swap3A_384, %swap3A_385], %gather3A {strides = array<i32>} : memref<16x8x128xf32, #tpu.memory_space<vmem>>, vector<16xf32>,
      %gather3A_387 = tpu.vector_load_idx %arg6[%broadcast_in_dim3A_53, %get3A_382] : memref<8x8192xf32, #tpu.memory_space<vmem>>[vector<16xi32>, vector<16xi32>], vector<16xf32>,
      %swap3A_388 = arith.constant 1 : i32
      %swap3A_389 = arith.index_cast %scan3A_375 : i32 to index
      %swap3A_390 = arith.index_cast %swap3A_388 : i32 to index
      %swap3A_391 = arith.constant 0 : index
      %swap3A_392 = tpu.vector_load %arg7[%swap3A_389, %swap3A_390, %swap3A_391] {strides = array<i32>} : memref<16x8x128xf32, #tpu.memory_space<vmem>>, vector<16xf32>,
      tpu.vector_store %arg7[%swap3A_389, %swap3A_390, %swap3A_391], %gather3A_387 {strides = array<i32>} : memref<16x8x128xf32, #tpu.memory_space<vmem>>, vector<16xf32>,
      %gather3A_393 = tpu.vector_load_idx %arg6[%broadcast_in_dim3A_55, %get3A_382] : memref<8x8192xf32, #tpu.memory_space<vmem>>[vector<16xi32>, vector<16xi32>], vector<16xf32>,
      %swap3A_394 = arith.constant 2 : i32
      %swap3A_395 = arith.index_cast %scan3A_375 : i32 to index
      %swap3A_396 = arith.index_cast %swap3A_394 : i32 to index
      %swap3A_397 = arith.constant 0 : index
      %swap3A_398 = tpu.vector_load %arg7[%swap3A_395, %swap3A_396, %swap3A_397] {strides = array<i32>} : memref<16x8x128xf32, #tpu.memory_space<vmem>>, vector<16xf32>,
      tpu.vector_store %arg7[%swap3A_395, %swap3A_396, %swap3A_397], %gather3A_393 {strides = array<i32>} : memref<16x8x128xf32, #tpu.memory_space<vmem>>, vector<16xf32>,
      %gather3A_399 = tpu.vector_load_idx %arg6[%broadcast_in_dim3A_57, %get3A_382] : memref<8x8192xf32, #tpu.memory_space<vmem>>[vector<16xi32>, vector<16xi32>], vector<16xf32>,
      %swap3A_400 = arith.constant 3 : i32
      %swap3A_401 = arith.index_cast %scan3A_375 : i32 to index
      %swap3A_402 = arith.index_cast %swap3A_400 : i32 to index
      %swap3A_403 = arith.constant 0 : index
      %swap3A_404 = tpu.vector_load %arg7[%swap3A_401, %swap3A_402, %swap3A_403] {strides = array<i32>} : memref<16x8x128xf32, #tpu.memory_space<vmem>>, vector<16xf32>,
      tpu.vector_store %arg7[%swap3A_401, %swap3A_402, %swap3A_403], %gather3A_399 {strides = array<i32>} : memref<16x8x128xf32, #tpu.memory_space<vmem>>, vector<16xf32>,
      %gather3A_405 = tpu.vector_load_idx %arg6[%broadcast_in_dim3A_59, %get3A_382] : memref<8x8192xf32, #tpu.memory_space<vmem>>[vector<16xi32>, vector<16xi32>], vector<16xf32>,
      %swap3A_406 = arith.constant 4 : i32
      %swap3A_407 = arith.index_cast %scan3A_375 : i32 to index
      %swap3A_408 = arith.index_cast %swap3A_406 : i32 to index
      %swap3A_409 = arith.constant 0 : index
      %swap3A_410 = tpu.vector_load %arg7[%swap3A_407, %swap3A_408, %swap3A_409] {strides = array<i32>} : memref<16x8x128xf32, #tpu.memory_space<vmem>>, vector<16xf32>,
      tpu.vector_store %arg7[%swap3A_407, %swap3A_408, %swap3A_409], %gather3A_405 {strides = array<i32>} : memref<16x8x128xf32, #tpu.memory_space<vmem>>, vector<16xf32>,
      %gather3A_411 = tpu.vector_load_idx %arg6[%broadcast_in_dim3A_61, %get3A_382] : memref<8x8192xf32, #tpu.memory_space<vmem>>[vector<16xi32>, vector<16xi32>], vector<16xf32>,
      %swap3A_412 = arith.constant 5 : i32
      %swap3A_413 = arith.index_cast %scan3A_375 : i32 to index
      %swap3A_414 = arith.index_cast %swap3A_412 : i32 to index
      %swap3A_415 = arith.constant 0 : index
      %swap3A_416 = tpu.vector_load %arg7[%swap3A_413, %swap3A_414, %swap3A_415] {strides = array<i32>} : memref<16x8x128xf32, #tpu.memory_space<vmem>>, vector<16xf32>,
      tpu.vector_store %arg7[%swap3A_413, %swap3A_414, %swap3A_415], %gather3A_411 {strides = array<i32>} : memref<16x8x128xf32, #tpu.memory_space<vmem>>, vector<16xf32>,
      %gather3A_417 = tpu.vector_load_idx %arg6[%broadcast_in_dim3A_63, %get3A_382] : memref<8x8192xf32, #tpu.memory_space<vmem>>[vector<16xi32>, vector<16xi32>], vector<16xf32>,
      %swap3A_418 = arith.constant 6 : i32
      %swap3A_419 = arith.index_cast %scan3A_375 : i32 to index
      %swap3A_420 = arith.index_cast %swap3A_418 : i32 to index
      %swap3A_421 = arith.constant 0 : index
      %swap3A_422 = tpu.vector_load %arg7[%swap3A_419, %swap3A_420, %swap3A_421] {strides = array<i32>} : memref<16x8x128xf32, #tpu.memory_space<vmem>>, vector<16xf32>,
      tpu.vector_store %arg7[%swap3A_419, %swap3A_420, %swap3A_421], %gather3A_417 {strides = array<i32>} : memref<16x8x128xf32, #tpu.memory_space<vmem>>, vector<16xf32>,
      %gather3A_423 = tpu.vector_load_idx %arg6[%broadcast_in_dim3A_65, %get3A_382] : memref<8x8192xf32, #tpu.memory_space<vmem>>[vector<16xi32>, vector<16xi32>], vector<16xf32>,
      %swap3A_424 = arith.constant 7 : i32
      %swap3A_425 = arith.index_cast %scan3A_375 : i32 to index
      %swap3A_426 = arith.index_cast %swap3A_424 : i32 to index
      %swap3A_427 = arith.constant 0 : index
      %swap3A_428 = tpu.vector_load %arg7[%swap3A_425, %swap3A_426, %swap3A_427] {strides = array<i32>} : memref<16x8x128xf32, #tpu.memory_space<vmem>>, vector<16xf32>,
      tpu.vector_store %arg7[%swap3A_425, %swap3A_426, %swap3A_427], %gather3A_423 {strides = array<i32>} : memref<16x8x128xf32, #tpu.memory_space<vmem>>, vector<16xf32>,
      %mul3A_429 = arith.constant 8 : i32
      %mul3A_430 = arith.muli %scan3A_375, %mul3A_429 : i32
      %add3A_431 = arith.constant 1 : i32
      %add3A_432 = arith.addi %mul3A_430, %add3A_431 : i32
      %mul3A_433 = arith.constant 16 : i32
      %mul3A_434 = arith.muli %add3A_432, %mul3A_433 : i32
      %get3A_435 = arith.index_cast %mul3A_434 : i32 to index
      %get3A_436 = tpu.vector_load %arg5[%get3A_435] {strides = array<i32>} : memref<2048xi32, #tpu.memory_space<vmem>>, vector<16xi32>,
      %gather3A_437 = tpu.vector_load_idx %arg6[%broadcast_in_dim3A_51, %get3A_436] : memref<8x8192xf32, #tpu.memory_space<vmem>>[vector<16xi32>, vector<16xi32>], vector<16xf32>,
      %swap3A_438 = arith.constant 0 : i32
      %swap3A_439 = arith.index_cast %scan3A_375 : i32 to index
      %swap3A_440 = arith.index_cast %swap3A_438 : i32 to index
      %swap3A_441 = arith.constant 16 : index
      %swap3A_442 = tpu.vector_load %arg7[%swap3A_439, %swap3A_440, %swap3A_441] {strides = array<i32>} : memref<16x8x128xf32, #tpu.memory_space<vmem>>, vector<16xf32>,
      tpu.vector_store %arg7[%swap3A_439, %swap3A_440, %swap3A_441], %gather3A_437 {strides = array<i32>} : memref<16x8x128xf32, #tpu.memory_space<vmem>>, vector<16xf32>,
      %gather3A_443 = tpu.vector_load_idx %arg6[%broadcast_in_dim3A_53, %get3A_436] : memref<8x8192xf32, #tpu.memory_space<vmem>>[vector<16xi32>, vector<16xi32>], vector<16xf32>,
      %swap3A_444 = arith.constant 1 : i32
      %swap3A_445 = arith.index_cast %scan3A_375 : i32 to index
      %swap3A_446 = arith.index_cast %swap3A_444 : i32 to index
      %swap3A_447 = arith.constant 16 : index
      %swap3A_448 = tpu.vector_load %arg7[%swap3A_445, %swap3A_446, %swap3A_447] {strides = array<i32>} : memref<16x8x128xf32, #tpu.memory_space<vmem>>, vector<16xf32>,
      tpu.vector_store %arg7[%swap3A_445, %swap3A_446, %swap3A_447], %gather3A_443 {strides = array<i32>} : memref<16x8x128xf32, #tpu.memory_space<vmem>>, vector<16xf32>,
      %gather3A_449 = tpu.vector_load_idx %arg6[%broadcast_in_dim3A_55, %get3A_436] : memref<8x8192xf32, #tpu.memory_space<vmem>>[vector<16xi32>, vector<16xi32>], vector<16xf32>,
      %swap3A_450 = arith.constant 2 : i32
      %swap3A_451 = arith.index_cast %scan3A_375 : i32 to index
      %swap3A_452 = arith.index_cast %swap3A_450 : i32 to index
      %swap3A_453 = arith.constant 16 : index
      %swap3A_454 = tpu.vector_load %arg7[%swap3A_451, %swap3A_452, %swap3A_453] {strides = array<i32>} : memref<16x8x128xf32, #tpu.memory_space<vmem>>, vector<16xf32>,
      tpu.vector_store %arg7[%swap3A_451, %swap3A_452, %swap3A_453], %gather3A_449 {strides = array<i32>} : memref<16x8x128xf32, #tpu.memory_space<vmem>>, vector<16xf32>,
      %gather3A_455 = tpu.vector_load_idx %arg6[%broadcast_in_dim3A_57, %get3A_436] : memref<8x8192xf32, #tpu.memory_space<vmem>>[vector<16xi32>, vector<16xi32>], vector<16xf32>,
      %swap3A_456 = arith.constant 3 : i32
      %swap3A_457 = arith.index_cast %scan3A_375 : i32 to index
      %swap3A_458 = arith.index_cast %swap3A_456 : i32 to index
      %swap3A_459 = arith.constant 16 : index
      %swap3A_460 = tpu.vector_load %arg7[%swap3A_457, %swap3A_458, %swap3A_459] {strides = array<i32>} : memref<16x8x128xf32, #tpu.memory_space<vmem>>, vector<16xf32>,
      tpu.vector_store %arg7[%swap3A_457, %swap3A_458, %swap3A_459], %gather3A_455 {strides = array<i32>} : memref<16x8x128xf32, #tpu.memory_space<vmem>>, vector<16xf32>,
      %gather3A_461 = tpu.vector_load_idx %arg6[%broadcast_in_dim3A_59, %get3A_436] : memref<8x8192xf32, #tpu.memory_space<vmem>>[vector<16xi32>, vector<16xi32>], vector<16xf32>,
      %swap3A_462 = arith.constant 4 : i32
      %swap3A_463 = arith.index_cast %scan3A_375 : i32 to index
      %swap3A_464 = arith.index_cast %swap3A_462 : i32 to index
      %swap3A_465 = arith.constant 16 : index
      %swap3A_466 = tpu.vector_load %arg7[%swap3A_463, %swap3A_464, %swap3A_465] {strides = array<i32>} : memref<16x8x128xf32, #tpu.memory_space<vmem>>, vector<16xf32>,
      tpu.vector_store %arg7[%swap3A_463, %swap3A_464, %swap3A_465], %gather3A_461 {strides = array<i32>} : memref<16x8x128xf32, #tpu.memory_space<vmem>>, vector<16xf32>,
      %gather3A_467 = tpu.vector_load_idx %arg6[%broadcast_in_dim3A_61, %get3A_436] : memref<8x8192xf32, #tpu.memory_space<vmem>>[vector<16xi32>, vector<16xi32>], vector<16xf32>,
      %swap3A_468 = arith.constant 5 : i32
      %swap3A_469 = arith.index_cast %scan3A_375 : i32 to index
      %swap3A_470 = arith.index_cast %swap3A_468 : i32 to index
      %swap3A_471 = arith.constant 16 : index
      %swap3A_472 = tpu.vector_load %arg7[%swap3A_469, %swap3A_470, %swap3A_471] {strides = array<i32>} : memref<16x8x128xf32, #tpu.memory_space<vmem>>, vector<16xf32>,
      tpu.vector_store %arg7[%swap3A_469, %swap3A_470, %swap3A_471], %gather3A_467 {strides = array<i32>} : memref<16x8x128xf32, #tpu.memory_space<vmem>>, vector<16xf32>,
      %gather3A_473 = tpu.vector_load_idx %arg6[%broadcast_in_dim3A_63, %get3A_436] : memref<8x8192xf32, #tpu.memory_space<vmem>>[vector<16xi32>, vector<16xi32>], vector<16xf32>,
      %swap3A_474 = arith.constant 6 : i32
      %swap3A_475 = arith.index_cast %scan3A_375 : i32 to index
      %swap3A_476 = arith.index_cast %swap3A_474 : i32 to index
      %swap3A_477 = arith.constant 16 : index
      %swap3A_478 = tpu.vector_load %arg7[%swap3A_475, %swap3A_476, %swap3A_477] {strides = array<i32>} : memref<16x8x128xf32, #tpu.memory_space<vmem>>, vector<16xf32>,
      tpu.vector_store %arg7[%swap3A_475, %swap3A_476, %swap3A_477], %gather3A_473 {strides = array<i32>} : memref<16x8x128xf32, #tpu.memory_space<vmem>>, vector<16xf32>,
      %gather3A_479 = tpu.vector_load_idx %arg6[%broadcast_in_dim3A_65, %get3A_436] : memref<8x8192xf32, #tpu.memory_space<vmem>>[vector<16xi32>, vector<16xi32>], vector<16xf32>,
      %swap3A_480 = arith.constant 7 : i32
      %swap3A_481 = arith.index_cast %scan3A_375 : i32 to index
      %swap3A_482 = arith.index_cast %swap3A_480 : i32 to index
      %swap3A_483 = arith.constant 16 : index
      %swap3A_484 = tpu.vector_load %arg7[%swap3A_481, %swap3A_482, %swap3A_483] {strides = array<i32>} : memref<16x8x128xf32, #tpu.memory_space<vmem>>, vector<16xf32>,
      tpu.vector_store %arg7[%swap3A_481, %swap3A_482, %swap3A_483], %gather3A_479 {strides = array<i32>} : memref<16x8x128xf32, #tpu.memory_space<vmem>>, vector<16xf32>,
      %mul3A_485 = arith.constant 8 : i32
      %mul3A_486 = arith.muli %scan3A_375, %mul3A_485 : i32
      %add3A_487 = arith.constant 2 : i32
      %add3A_488 = arith.addi %mul3A_486, %add3A_487 : i32
      %mul3A_489 = arith.constant 16 : i32
      %mul3A_490 = arith.muli %add3A_488, %mul3A_489 : i32
      %get3A_491 = arith.index_cast %mul3A_490 : i32 to index
      %get3A_492 = tpu.vector_load %arg5[%get3A_491] {strides = array<i32>} : memref<2048xi32, #tpu.memory_space<vmem>>, vector<16xi32>,
      %gather3A_493 = tpu.vector_load_idx %arg6[%broadcast_in_dim3A_51, %get3A_492] : memref<8x8192xf32, #tpu.memory_space<vmem>>[vector<16xi32>, vector<16xi32>], vector<16xf32>,
      %swap3A_494 = arith.constant 0 : i32
      %swap3A_495 = arith.index_cast %scan3A_375 : i32 to index
      %swap3A_496 = arith.index_cast %swap3A_494 : i32 to index
      %swap3A_497 = arith.constant 32 : index
      %swap3A_498 = tpu.vector_load %arg7[%swap3A_495, %swap3A_496, %swap3A_497] {strides = array<i32>} : memref<16x8x128xf32, #tpu.memory_space<vmem>>, vector<16xf32>,
      tpu.vector_store %arg7[%swap3A_495, %swap3A_496, %swap3A_497], %gather3A_493 {strides = array<i32>} : memref<16x8x128xf32, #tpu.memory_space<vmem>>, vector<16xf32>,
      %gather3A_499 = tpu.vector_load_idx %arg6[%broadcast_in_dim3A_53, %get3A_492] : memref<8x8192xf32, #tpu.memory_space<vmem>>[vector<16xi32>, vector<16xi32>], vector<16xf32>,
      %swap3A_500 = arith.constant 1 : i32
      %swap3A_501 = arith.index_cast %scan3A_375 : i32 to index
      %swap3A_502 = arith.index_cast %swap3A_500 : i32 to index
      %swap3A_503 = arith.constant 32 : index
      %swap3A_504 = tpu.vector_load %arg7[%swap3A_501, %swap3A_502, %swap3A_503] {strides = array<i32>} : memref<16x8x128xf32, #tpu.memory_space<vmem>>, vector<16xf32>,
      tpu.vector_store %arg7[%swap3A_501, %swap3A_502, %swap3A_503], %gather3A_499 {strides = array<i32>} : memref<16x8x128xf32, #tpu.memory_space<vmem>>, vector<16xf32>,
      %gather3A_505 = tpu.vector_load_idx %arg6[%broadcast_in_dim3A_55, %get3A_492] : memref<8x8192xf32, #tpu.memory_space<vmem>>[vector<16xi32>, vector<16xi32>], vector<16xf32>,
      %swap3A_506 = arith.constant 2 : i32
      %swap3A_507 = arith.index_cast %scan3A_375 : i32 to index
      %swap3A_508 = arith.index_cast %swap3A_506 : i32 to index
      %swap3A_509 = arith.constant 32 : index
      %swap3A_510 = tpu.vector_load %arg7[%swap3A_507, %swap3A_508, %swap3A_509] {strides = array<i32>} : memref<16x8x128xf32, #tpu.memory_space<vmem>>, vector<16xf32>,
      tpu.vector_store %arg7[%swap3A_507, %swap3A_508, %swap3A_509], %gather3A_505 {strides = array<i32>} : memref<16x8x128xf32, #tpu.memory_space<vmem>>, vector<16xf32>,
      %gather3A_511 = tpu.vector_load_idx %arg6[%broadcast_in_dim3A_57, %get3A_492] : memref<8x8192xf32, #tpu.memory_space<vmem>>[vector<16xi32>, vector<16xi32>], vector<16xf32>,
      %swap3A_512 = arith.constant 3 : i32
      %swap3A_513 = arith.index_cast %scan3A_375 : i32 to index
      %swap3A_514 = arith.index_cast %swap3A_512 : i32 to index
      %swap3A_515 = arith.constant 32 : index
      %swap3A_516 = tpu.vector_load %arg7[%swap3A_513, %swap3A_514, %swap3A_515] {strides = array<i32>} : memref<16x8x128xf32, #tpu.memory_space<vmem>>, vector<16xf32>,
      tpu.vector_store %arg7[%swap3A_513, %swap3A_514, %swap3A_515], %gather3A_511 {strides = array<i32>} : memref<16x8x128xf32, #tpu.memory_space<vmem>>, vector<16xf32>,
      %gather3A_517 = tpu.vector_load_idx %arg6[%broadcast_in_dim3A_59, %get3A_492] : memref<8x8192xf32, #tpu.memory_space<vmem>>[vector<16xi32>, vector<16xi32>], vector<16xf32>,
      %swap3A_518 = arith.constant 4 : i32
      %swap3A_519 = arith.index_cast %scan3A_375 : i32 to index
      %swap3A_520 = arith.index_cast %swap3A_518 : i32 to index
      %swap3A_521 = arith.constant 32 : index
      %swap3A_522 = tpu.vector_load %arg7[%swap3A_519, %swap3A_520, %swap3A_521] {strides = array<i32>} : memref<16x8x128xf32, #tpu.memory_space<vmem>>, vector<16xf32>,
      tpu.vector_store %arg7[%swap3A_519, %swap3A_520, %swap3A_521], %gather3A_517 {strides = array<i32>} : memref<16x8x128xf32, #tpu.memory_space<vmem>>, vector<16xf32>,
      %gather3A_523 = tpu.vector_load_idx %arg6[%broadcast_in_dim3A_61, %get3A_492] : memref<8x8192xf32, #tpu.memory_space<vmem>>[vector<16xi32>, vector<16xi32>], vector<16xf32>,
      %swap3A_524 = arith.constant 5 : i32
      %swap3A_525 = arith.index_cast %scan3A_375 : i32 to index
      %swap3A_526 = arith.index_cast %swap3A_524 : i32 to index
      %swap3A_527 = arith.constant 32 : index
      %swap3A_528 = tpu.vector_load %arg7[%swap3A_525, %swap3A_526, %swap3A_527] {strides = array<i32>} : memref<16x8x128xf32, #tpu.memory_space<vmem>>, vector<16xf32>,
      tpu.vector_store %arg7[%swap3A_525, %swap3A_526, %swap3A_527], %gather3A_523 {strides = array<i32>} : memref<16x8x128xf32, #tpu.memory_space<vmem>>, vector<16xf32>,
      %gather3A_529 = tpu.vector_load_idx %arg6[%broadcast_in_dim3A_63, %get3A_492] : memref<8x8192xf32, #tpu.memory_space<vmem>>[vector<16xi32>, vector<16xi32>], vector<16xf32>,
      %swap3A_530 = arith.constant 6 : i32
      %swap3A_531 = arith.index_cast %scan3A_375 : i32 to index
      %swap3A_532 = arith.index_cast %swap3A_530 : i32 to index
      %swap3A_533 = arith.constant 32 : index
      %swap3A_534 = tpu.vector_load %arg7[%swap3A_531, %swap3A_532, %swap3A_533] {strides = array<i32>} : memref<16x8x128xf32, #tpu.memory_space<vmem>>, vector<16xf32>,
      tpu.vector_store %arg7[%swap3A_531, %swap3A_532, %swap3A_533], %gather3A_529 {strides = array<i32>} : memref<16x8x128xf32, #tpu.memory_space<vmem>>, vector<16xf32>,
      %gather3A_535 = tpu.vector_load_idx %arg6[%broadcast_in_dim3A_65, %get3A_492] : memref<8x8192xf32, #tpu.memory_space<vmem>>[vector<16xi32>, vector<16xi32>], vector<16xf32>,
      %swap3A_536 = arith.constant 7 : i32
      %swap3A_537 = arith.index_cast %scan3A_375 : i32 to index
      %swap3A_538 = arith.index_cast %swap3A_536 : i32 to index
      %swap3A_539 = arith.constant 32 : index
      %swap3A_540 = tpu.vector_load %arg7[%swap3A_537, %swap3A_538, %swap3A_539] {strides = array<i32>} : memref<16x8x128xf32, #tpu.memory_space<vmem>>, vector<16xf32>,
      tpu.vector_store %arg7[%swap3A_537, %swap3A_538, %swap3A_539], %gather3A_535 {strides = array<i32>} : memref<16x8x128xf32, #tpu.memory_space<vmem>>, vector<16xf32>,
      %mul3A_541 = arith.constant 8 : i32
      %mul3A_542 = arith.muli %scan3A_375, %mul3A_541 : i32
      %add3A_543 = arith.constant 3 : i32
      %add3A_544 = arith.addi %mul3A_542, %add3A_543 : i32
      %mul3A_545 = arith.constant 16 : i32
      %mul3A_546 = arith.muli %add3A_544, %mul3A_545 : i32
      %get3A_547 = arith.index_cast %mul3A_546 : i32 to index
      %get3A_548 = tpu.vector_load %arg5[%get3A_547] {strides = array<i32>} : memref<2048xi32, #tpu.memory_space<vmem>>, vector<16xi32>,
      %gather3A_549 = tpu.vector_load_idx %arg6[%broadcast_in_dim3A_51, %get3A_548] : memref<8x8192xf32, #tpu.memory_space<vmem>>[vector<16xi32>, vector<16xi32>], vector<16xf32>,
      %swap3A_550 = arith.constant 0 : i32
      %swap3A_551 = arith.index_cast %scan3A_375 : i32 to index
      %swap3A_552 = arith.index_cast %swap3A_550 : i32 to index
      %swap3A_553 = arith.constant 48 : index
      %swap3A_554 = tpu.vector_load %arg7[%swap3A_551, %swap3A_552, %swap3A_553] {strides = array<i32>} : memref<16x8x128xf32, #tpu.memory_space<vmem>>, vector<16xf32>,
      tpu.vector_store %arg7[%swap3A_551, %swap3A_552, %swap3A_553], %gather3A_549 {strides = array<i32>} : memref<16x8x128xf32, #tpu.memory_space<vmem>>, vector<16xf32>,
      %gather3A_555 = tpu.vector_load_idx %arg6[%broadcast_in_dim3A_53, %get3A_548] : memref<8x8192xf32, #tpu.memory_space<vmem>>[vector<16xi32>, vector<16xi32>], vector<16xf32>,
      %swap3A_556 = arith.constant 1 : i32
      %swap3A_557 = arith.index_cast %scan3A_375 : i32 to index
      %swap3A_558 = arith.index_cast %swap3A_556 : i32 to index
      %swap3A_559 = arith.constant 48 : index
      %swap3A_560 = tpu.vector_load %arg7[%swap3A_557, %swap3A_558, %swap3A_559] {strides = array<i32>} : memref<16x8x128xf32, #tpu.memory_space<vmem>>, vector<16xf32>,
      tpu.vector_store %arg7[%swap3A_557, %swap3A_558, %swap3A_559], %gather3A_555 {strides = array<i32>} : memref<16x8x128xf32, #tpu.memory_space<vmem>>, vector<16xf32>,
      %gather3A_561 = tpu.vector_load_idx %arg6[%broadcast_in_dim3A_55, %get3A_548] : memref<8x8192xf32, #tpu.memory_space<vmem>>[vector<16xi32>, vector<16xi32>], vector<16xf32>,
      %swap3A_562 = arith.constant 2 : i32
      %swap3A_563 = arith.index_cast %scan3A_375 : i32 to index
      %swap3A_564 = arith.index_cast %swap3A_562 : i32 to index
      %swap3A_565 = arith.constant 48 : index
      %swap3A_566 = tpu.vector_load %arg7[%swap3A_563, %swap3A_564, %swap3A_565] {strides = array<i32>} : memref<16x8x128xf32, #tpu.memory_space<vmem>>, vector<16xf32>,
      tpu.vector_store %arg7[%swap3A_563, %swap3A_564, %swap3A_565], %gather3A_561 {strides = array<i32>} : memref<16x8x128xf32, #tpu.memory_space<vmem>>, vector<16xf32>,
      %gather3A_567 = tpu.vector_load_idx %arg6[%broadcast_in_dim3A_57, %get3A_548] : memref<8x8192xf32, #tpu.memory_space<vmem>>[vector<16xi32>, vector<16xi32>], vector<16xf32>,
      %swap3A_568 = arith.constant 3 : i32
      %swap3A_569 = arith.index_cast %scan3A_375 : i32 to index
      %swap3A_570 = arith.index_cast %swap3A_568 : i32 to index
      %swap3A_571 = arith.constant 48 : index
      %swap3A_572 = tpu.vector_load %arg7[%swap3A_569, %swap3A_570, %swap3A_571] {strides = array<i32>} : memref<16x8x128xf32, #tpu.memory_space<vmem>>, vector<16xf32>,
      tpu.vector_store %arg7[%swap3A_569, %swap3A_570, %swap3A_571], %gather3A_567 {strides = array<i32>} : memref<16x8x128xf32, #tpu.memory_space<vmem>>, vector<16xf32>,
      %gather3A_573 = tpu.vector_load_idx %arg6[%broadcast_in_dim3A_59, %get3A_548] : memref<8x8192xf32, #tpu.memory_space<vmem>>[vector<16xi32>, vector<16xi32>], vector<16xf32>,
      %swap3A_574 = arith.constant 4 : i32
      %swap3A_575 = arith.index_cast %scan3A_375 : i32 to index
      %swap3A_576 = arith.index_cast %swap3A_574 : i32 to index
      %swap3A_577 = arith.constant 48 : index
      %swap3A_578 = tpu.vector_load %arg7[%swap3A_575, %swap3A_576, %swap3A_577] {strides = array<i32>} : memref<16x8x128xf32, #tpu.memory_space<vmem>>, vector<16xf32>,
      tpu.vector_store %arg7[%swap3A_575, %swap3A_576, %swap3A_577], %gather3A_573 {strides = array<i32>} : memref<16x8x128xf32, #tpu.memory_space<vmem>>, vector<16xf32>,
      %gather3A_579 = tpu.vector_load_idx %arg6[%broadcast_in_dim3A_61, %get3A_548] : memref<8x8192xf32, #tpu.memory_space<vmem>>[vector<16xi32>, vector<16xi32>], vector<16xf32>,
      %swap3A_580 = arith.constant 5 : i32
      %swap3A_581 = arith.index_cast %scan3A_375 : i32 to index
      %swap3A_582 = arith.index_cast %swap3A_580 : i32 to index
      %swap3A_583 = arith.constant 48 : index
      %swap3A_584 = tpu.vector_load %arg7[%swap3A_581, %swap3A_582, %swap3A_583] {strides = array<i32>} : memref<16x8x128xf32, #tpu.memory_space<vmem>>, vector<16xf32>,
      tpu.vector_store %arg7[%swap3A_581, %swap3A_582, %swap3A_583], %gather3A_579 {strides = array<i32>} : memref<16x8x128xf32, #tpu.memory_space<vmem>>, vector<16xf32>,
      %gather3A_585 = tpu.vector_load_idx %arg6[%broadcast_in_dim3A_63, %get3A_548] : memref<8x8192xf32, #tpu.memory_space<vmem>>[vector<16xi32>, vector<16xi32>], vector<16xf32>,
      %swap3A_586 = arith.constant 6 : i32
      %swap3A_587 = arith.index_cast %scan3A_375 : i32 to index
      %swap3A_588 = arith.index_cast %swap3A_586 : i32 to index
      %swap3A_589 = arith.constant 48 : index
      %swap3A_590 = tpu.vector_load %arg7[%swap3A_587, %swap3A_588, %swap3A_589] {strides = array<i32>} : memref<16x8x128xf32, #tpu.memory_space<vmem>>, vector<16xf32>,
      tpu.vector_store %arg7[%swap3A_587, %swap3A_588, %swap3A_589], %gather3A_585 {strides = array<i32>} : memref<16x8x128xf32, #tpu.memory_space<vmem>>, vector<16xf32>,
      %gather3A_591 = tpu.vector_load_idx %arg6[%broadcast_in_dim3A_65, %get3A_548] : memref<8x8192xf32, #tpu.memory_space<vmem>>[vector<16xi32>, vector<16xi32>], vector<16xf32>,
      %swap3A_592 = arith.constant 7 : i32
      %swap3A_593 = arith.index_cast %scan3A_375 : i32 to index
      %swap3A_594 = arith.index_cast %swap3A_592 : i32 to index
      %swap3A_595 = arith.constant 48 : index
      %swap3A_596 = tpu.vector_load %arg7[%swap3A_593, %swap3A_594, %swap3A_595] {strides = array<i32>} : memref<16x8x128xf32, #tpu.memory_space<vmem>>, vector<16xf32>,
      tpu.vector_store %arg7[%swap3A_593, %swap3A_594, %swap3A_595], %gather3A_591 {strides = array<i32>} : memref<16x8x128xf32, #tpu.memory_space<vmem>>, vector<16xf32>,
      %mul3A_597 = arith.constant 8 : i32
      %mul3A_598 = arith.muli %scan3A_375, %mul3A_597 : i32
      %add3A_599 = arith.constant 4 : i32
      %add3A_600 = arith.addi %mul3A_598, %add3A_599 : i32
      %mul3A_601 = arith.constant 16 : i32
      %mul3A_602 = arith.muli %add3A_600, %mul3A_601 : i32
      %get3A_603 = arith.index_cast %mul3A_602 : i32 to index
      %get3A_604 = tpu.vector_load %arg5[%get3A_603] {strides = array<i32>} : memref<2048xi32, #tpu.memory_space<vmem>>, vector<16xi32>,
      %gather3A_605 = tpu.vector_load_idx %arg6[%broadcast_in_dim3A_51, %get3A_604] : memref<8x8192xf32, #tpu.memory_space<vmem>>[vector<16xi32>, vector<16xi32>], vector<16xf32>,
      %swap3A_606 = arith.constant 0 : i32
      %swap3A_607 = arith.index_cast %scan3A_375 : i32 to index
      %swap3A_608 = arith.index_cast %swap3A_606 : i32 to index
      %swap3A_609 = arith.constant 64 : index
      %swap3A_610 = tpu.vector_load %arg7[%swap3A_607, %swap3A_608, %swap3A_609] {strides = array<i32>} : memref<16x8x128xf32, #tpu.memory_space<vmem>>, vector<16xf32>,
      tpu.vector_store %arg7[%swap3A_607, %swap3A_608, %swap3A_609], %gather3A_605 {strides = array<i32>} : memref<16x8x128xf32, #tpu.memory_space<vmem>>, vector<16xf32>,
      %gather3A_611 = tpu.vector_load_idx %arg6[%broadcast_in_dim3A_53, %get3A_604] : memref<8x8192xf32, #tpu.memory_space<vmem>>[vector<16xi32>, vector<16xi32>], vector<16xf32>,
      %swap3A_612 = arith.constant 1 : i32
      %swap3A_613 = arith.index_cast %scan3A_375 : i32 to index
      %swap3A_614 = arith.index_cast %swap3A_612 : i32 to index
      %swap3A_615 = arith.constant 64 : index
      %swap3A_616 = tpu.vector_load %arg7[%swap3A_613, %swap3A_614, %swap3A_615] {strides = array<i32>} : memref<16x8x128xf32, #tpu.memory_space<vmem>>, vector<16xf32>,
      tpu.vector_store %arg7[%swap3A_613, %swap3A_614, %swap3A_615], %gather3A_611 {strides = array<i32>} : memref<16x8x128xf32, #tpu.memory_space<vmem>>, vector<16xf32>,
      %gather3A_617 = tpu.vector_load_idx %arg6[%broadcast_in_dim3A_55, %get3A_604] : memref<8x8192xf32, #tpu.memory_space<vmem>>[vector<16xi32>, vector<16xi32>], vector<16xf32>,
      %swap3A_618 = arith.constant 2 : i32
      %swap3A_619 = arith.index_cast %scan3A_375 : i32 to index
      %swap3A_620 = arith.index_cast %swap3A_618 : i32 to index
      %swap3A_621 = arith.constant 64 : index
      %swap3A_622 = tpu.vector_load %arg7[%swap3A_619, %swap3A_620, %swap3A_621] {strides = array<i32>} : memref<16x8x128xf32, #tpu.memory_space<vmem>>, vector<16xf32>,
      tpu.vector_store %arg7[%swap3A_619, %swap3A_620, %swap3A_621], %gather3A_617 {strides = array<i32>} : memref<16x8x128xf32, #tpu.memory_space<vmem>>, vector<16xf32>,
      %gather3A_623 = tpu.vector_load_idx %arg6[%broadcast_in_dim3A_57, %get3A_604] : memref<8x8192xf32, #tpu.memory_space<vmem>>[vector<16xi32>, vector<16xi32>], vector<16xf32>,
      %swap3A_624 = arith.constant 3 : i32
      %swap3A_625 = arith.index_cast %scan3A_375 : i32 to index
      %swap3A_626 = arith.index_cast %swap3A_624 : i32 to index
      %swap3A_627 = arith.constant 64 : index
      %swap3A_628 = tpu.vector_load %arg7[%swap3A_625, %swap3A_626, %swap3A_627] {strides = array<i32>} : memref<16x8x128xf32, #tpu.memory_space<vmem>>, vector<16xf32>,
      tpu.vector_store %arg7[%swap3A_625, %swap3A_626, %swap3A_627], %gather3A_623 {strides = array<i32>} : memref<16x8x128xf32, #tpu.memory_space<vmem>>, vector<16xf32>,
      %gather3A_629 = tpu.vector_load_idx %arg6[%broadcast_in_dim3A_59, %get3A_604] : memref<8x8192xf32, #tpu.memory_space<vmem>>[vector<16xi32>, vector<16xi32>], vector<16xf32>,
      %swap3A_630 = arith.constant 4 : i32
      %swap3A_631 = arith.index_cast %scan3A_375 : i32 to index
      %swap3A_632 = arith.index_cast %swap3A_630 : i32 to index
      %swap3A_633 = arith.constant 64 : index
      %swap3A_634 = tpu.vector_load %arg7[%swap3A_631, %swap3A_632, %swap3A_633] {strides = array<i32>} : memref<16x8x128xf32, #tpu.memory_space<vmem>>, vector<16xf32>,
      tpu.vector_store %arg7[%swap3A_631, %swap3A_632, %swap3A_633], %gather3A_629 {strides = array<i32>} : memref<16x8x128xf32, #tpu.memory_space<vmem>>, vector<16xf32>,
      %gather3A_635 = tpu.vector_load_idx %arg6[%broadcast_in_dim3A_61, %get3A_604] : memref<8x8192xf32, #tpu.memory_space<vmem>>[vector<16xi32>, vector<16xi32>], vector<16xf32>,
      %swap3A_636 = arith.constant 5 : i32
      %swap3A_637 = arith.index_cast %scan3A_375 : i32 to index
      %swap3A_638 = arith.index_cast %swap3A_636 : i32 to index
      %swap3A_639 = arith.constant 64 : index
      %swap3A_640 = tpu.vector_load %arg7[%swap3A_637, %swap3A_638, %swap3A_639] {strides = array<i32>} : memref<16x8x128xf32, #tpu.memory_space<vmem>>, vector<16xf32>,
      tpu.vector_store %arg7[%swap3A_637, %swap3A_638, %swap3A_639], %gather3A_635 {strides = array<i32>} : memref<16x8x128xf32, #tpu.memory_space<vmem>>, vector<16xf32>,
      %gather3A_641 = tpu.vector_load_idx %arg6[%broadcast_in_dim3A_63, %get3A_604] : memref<8x8192xf32, #tpu.memory_space<vmem>>[vector<16xi32>, vector<16xi32>], vector<16xf32>,
      %swap3A_642 = arith.constant 6 : i32
      %swap3A_643 = arith.index_cast %scan3A_375 : i32 to index
      %swap3A_644 = arith.index_cast %swap3A_642 : i32 to index
      %swap3A_645 = arith.constant 64 : index
      %swap3A_646 = tpu.vector_load %arg7[%swap3A_643, %swap3A_644, %swap3A_645] {strides = array<i32>} : memref<16x8x128xf32, #tpu.memory_space<vmem>>, vector<16xf32>,
      tpu.vector_store %arg7[%swap3A_643, %swap3A_644, %swap3A_645], %gather3A_641 {strides = array<i32>} : memref<16x8x128xf32, #tpu.memory_space<vmem>>, vector<16xf32>,
      %gather3A_647 = tpu.vector_load_idx %arg6[%broadcast_in_dim3A_65, %get3A_604] : memref<8x8192xf32, #tpu.memory_space<vmem>>[vector<16xi32>, vector<16xi32>], vector<16xf32>,
      %swap3A_648 = arith.constant 7 : i32
      %swap3A_649 = arith.index_cast %scan3A_375 : i32 to index
      %swap3A_650 = arith.index_cast %swap3A_648 : i32 to index
      %swap3A_651 = arith.constant 64 : index
      %swap3A_652 = tpu.vector_load %arg7[%swap3A_649, %swap3A_650, %swap3A_651] {strides = array<i32>} : memref<16x8x128xf32, #tpu.memory_space<vmem>>, vector<16xf32>,
      tpu.vector_store %arg7[%swap3A_649, %swap3A_650, %swap3A_651], %gather3A_647 {strides = array<i32>} : memref<16x8x128xf32, #tpu.memory_space<vmem>>, vector<16xf32>,
      %mul3A_653 = arith.constant 8 : i32
      %mul3A_654 = arith.muli %scan3A_375, %mul3A_653 : i32
      %add3A_655 = arith.constant 5 : i32
      %add3A_656 = arith.addi %mul3A_654, %add3A_655 : i32
      %mul3A_657 = arith.constant 16 : i32
      %mul3A_658 = arith.muli %add3A_656, %mul3A_657 : i32
      %get3A_659 = arith.index_cast %mul3A_658 : i32 to index
      %get3A_660 = tpu.vector_load %arg5[%get3A_659] {strides = array<i32>} : memref<2048xi32, #tpu.memory_space<vmem>>, vector<16xi32>,
      %gather3A_661 = tpu.vector_load_idx %arg6[%broadcast_in_dim3A_51, %get3A_660] : memref<8x8192xf32, #tpu.memory_space<vmem>>[vector<16xi32>, vector<16xi32>], vector<16xf32>,
      %swap3A_662 = arith.constant 0 : i32
      %swap3A_663 = arith.index_cast %scan3A_375 : i32 to index
      %swap3A_664 = arith.index_cast %swap3A_662 : i32 to index
      %swap3A_665 = arith.constant 80 : index
      %swap3A_666 = tpu.vector_load %arg7[%swap3A_663, %swap3A_664, %swap3A_665] {strides = array<i32>} : memref<16x8x128xf32, #tpu.memory_space<vmem>>, vector<16xf32>,
      tpu.vector_store %arg7[%swap3A_663, %swap3A_664, %swap3A_665], %gather3A_661 {strides = array<i32>} : memref<16x8x128xf32, #tpu.memory_space<vmem>>, vector<16xf32>,
      %gather3A_667 = tpu.vector_load_idx %arg6[%broadcast_in_dim3A_53, %get3A_660] : memref<8x8192xf32, #tpu.memory_space<vmem>>[vector<16xi32>, vector<16xi32>], vector<16xf32>,
      %swap3A_668 = arith.constant 1 : i32
      %swap3A_669 = arith.index_cast %scan3A_375 : i32 to index
      %swap3A_670 = arith.index_cast %swap3A_668 : i32 to index
      %swap3A_671 = arith.constant 80 : index
      %swap3A_672 = tpu.vector_load %arg7[%swap3A_669, %swap3A_670, %swap3A_671] {strides = array<i32>} : memref<16x8x128xf32, #tpu.memory_space<vmem>>, vector<16xf32>,
      tpu.vector_store %arg7[%swap3A_669, %swap3A_670, %swap3A_671], %gather3A_667 {strides = array<i32>} : memref<16x8x128xf32, #tpu.memory_space<vmem>>, vector<16xf32>,
      %gather3A_673 = tpu.vector_load_idx %arg6[%broadcast_in_dim3A_55, %get3A_660] : memref<8x8192xf32, #tpu.memory_space<vmem>>[vector<16xi32>, vector<16xi32>], vector<16xf32>,
      %swap3A_674 = arith.constant 2 : i32
      %swap3A_675 = arith.index_cast %scan3A_375 : i32 to index
      %swap3A_676 = arith.index_cast %swap3A_674 : i32 to index
      %swap3A_677 = arith.constant 80 : index
      %swap3A_678 = tpu.vector_load %arg7[%swap3A_675, %swap3A_676, %swap3A_677] {strides = array<i32>} : memref<16x8x128xf32, #tpu.memory_space<vmem>>, vector<16xf32>,
      tpu.vector_store %arg7[%swap3A_675, %swap3A_676, %swap3A_677], %gather3A_673 {strides = array<i32>} : memref<16x8x128xf32, #tpu.memory_space<vmem>>, vector<16xf32>,
      %gather3A_679 = tpu.vector_load_idx %arg6[%broadcast_in_dim3A_57, %get3A_660] : memref<8x8192xf32, #tpu.memory_space<vmem>>[vector<16xi32>, vector<16xi32>], vector<16xf32>,
      %swap3A_680 = arith.constant 3 : i32
      %swap3A_681 = arith.index_cast %scan3A_375 : i32 to index
      %swap3A_682 = arith.index_cast %swap3A_680 : i32 to index
      %swap3A_683 = arith.constant 80 : index
      %swap3A_684 = tpu.vector_load %arg7[%swap3A_681, %swap3A_682, %swap3A_683] {strides = array<i32>} : memref<16x8x128xf32, #tpu.memory_space<vmem>>, vector<16xf32>,
      tpu.vector_store %arg7[%swap3A_681, %swap3A_682, %swap3A_683], %gather3A_679 {strides = array<i32>} : memref<16x8x128xf32, #tpu.memory_space<vmem>>, vector<16xf32>,
      %gather3A_685 = tpu.vector_load_idx %arg6[%broadcast_in_dim3A_59, %get3A_660] : memref<8x8192xf32, #tpu.memory_space<vmem>>[vector<16xi32>, vector<16xi32>], vector<16xf32>,
      %swap3A_686 = arith.constant 4 : i32
      %swap3A_687 = arith.index_cast %scan3A_375 : i32 to index
      %swap3A_688 = arith.index_cast %swap3A_686 : i32 to index
      %swap3A_689 = arith.constant 80 : index
      %swap3A_690 = tpu.vector_load %arg7[%swap3A_687, %swap3A_688, %swap3A_689] {strides = array<i32>} : memref<16x8x128xf32, #tpu.memory_space<vmem>>, vector<16xf32>,
      tpu.vector_store %arg7[%swap3A_687, %swap3A_688, %swap3A_689], %gather3A_685 {strides = array<i32>} : memref<16x8x128xf32, #tpu.memory_space<vmem>>, vector<16xf32>,
      %gather3A_691 = tpu.vector_load_idx %arg6[%broadcast_in_dim3A_61, %get3A_660] : memref<8x8192xf32, #tpu.memory_space<vmem>>[vector<16xi32>, vector<16xi32>], vector<16xf32>,
      %swap3A_692 = arith.constant 5 : i32
      %swap3A_693 = arith.index_cast %scan3A_375 : i32 to index
      %swap3A_694 = arith.index_cast %swap3A_692 : i32 to index
      %swap3A_695 = arith.constant 80 : index
      %swap3A_696 = tpu.vector_load %arg7[%swap3A_693, %swap3A_694, %swap3A_695] {strides = array<i32>} : memref<16x8x128xf32, #tpu.memory_space<vmem>>, vector<16xf32>,
      tpu.vector_store %arg7[%swap3A_693, %swap3A_694, %swap3A_695], %gather3A_691 {strides = array<i32>} : memref<16x8x128xf32, #tpu.memory_space<vmem>>, vector<16xf32>,
      %gather3A_697 = tpu.vector_load_idx %arg6[%broadcast_in_dim3A_63, %get3A_660] : memref<8x8192xf32, #tpu.memory_space<vmem>>[vector<16xi32>, vector<16xi32>], vector<16xf32>,
      %swap3A_698 = arith.constant 6 : i32
      %swap3A_699 = arith.index_cast %scan3A_375 : i32 to index
      %swap3A_700 = arith.index_cast %swap3A_698 : i32 to index
      %swap3A_701 = arith.constant 80 : index
      %swap3A_702 = tpu.vector_load %arg7[%swap3A_699, %swap3A_700, %swap3A_701] {strides = array<i32>} : memref<16x8x128xf32, #tpu.memory_space<vmem>>, vector<16xf32>,
      tpu.vector_store %arg7[%swap3A_699, %swap3A_700, %swap3A_701], %gather3A_697 {strides = array<i32>} : memref<16x8x128xf32, #tpu.memory_space<vmem>>, vector<16xf32>,
      %gather3A_703 = tpu.vector_load_idx %arg6[%broadcast_in_dim3A_65, %get3A_660] : memref<8x8192xf32, #tpu.memory_space<vmem>>[vector<16xi32>, vector<16xi32>], vector<16xf32>,
      %swap3A_704 = arith.constant 7 : i32
      %swap3A_705 = arith.index_cast %scan3A_375 : i32 to index
      %swap3A_706 = arith.index_cast %swap3A_704 : i32 to index
      %swap3A_707 = arith.constant 80 : index
      %swap3A_708 = tpu.vector_load %arg7[%swap3A_705, %swap3A_706, %swap3A_707] {strides = array<i32>} : memref<16x8x128xf32, #tpu.memory_space<vmem>>, vector<16xf32>,
      tpu.vector_store %arg7[%swap3A_705, %swap3A_706, %swap3A_707], %gather3A_703 {strides = array<i32>} : memref<16x8x128xf32, #tpu.memory_space<vmem>>, vector<16xf32>,
      %mul3A_709 = arith.constant 8 : i32
      %mul3A_710 = arith.muli %scan3A_375, %mul3A_709 : i32
      %add3A_711 = arith.constant 6 : i32
      %add3A_712 = arith.addi %mul3A_710, %add3A_711 : i32
      %mul3A_713 = arith.constant 16 : i32
      %mul3A_714 = arith.muli %add3A_712, %mul3A_713 : i32
      %get3A_715 = arith.index_cast %mul3A_714 : i32 to index
      %get3A_716 = tpu.vector_load %arg5[%get3A_715] {strides = array<i32>} : memref<2048xi32, #tpu.memory_space<vmem>>, vector<16xi32>,
      %gather3A_717 = tpu.vector_load_idx %arg6[%broadcast_in_dim3A_51, %get3A_716] : memref<8x8192xf32, #tpu.memory_space<vmem>>[vector<16xi32>, vector<16xi32>], vector<16xf32>,
      %swap3A_718 = arith.constant 0 : i32
      %swap3A_719 = arith.index_cast %scan3A_375 : i32 to index
      %swap3A_720 = arith.index_cast %swap3A_718 : i32 to index
      %swap3A_721 = arith.constant 96 : index
      %swap3A_722 = tpu.vector_load %arg7[%swap3A_719, %swap3A_720, %swap3A_721] {strides = array<i32>} : memref<16x8x128xf32, #tpu.memory_space<vmem>>, vector<16xf32>,
      tpu.vector_store %arg7[%swap3A_719, %swap3A_720, %swap3A_721], %gather3A_717 {strides = array<i32>} : memref<16x8x128xf32, #tpu.memory_space<vmem>>, vector<16xf32>,
      %gather3A_723 = tpu.vector_load_idx %arg6[%broadcast_in_dim3A_53, %get3A_716] : memref<8x8192xf32, #tpu.memory_space<vmem>>[vector<16xi32>, vector<16xi32>], vector<16xf32>,
      %swap3A_724 = arith.constant 1 : i32
      %swap3A_725 = arith.index_cast %scan3A_375 : i32 to index
      %swap3A_726 = arith.index_cast %swap3A_724 : i32 to index
      %swap3A_727 = arith.constant 96 : index
      %swap3A_728 = tpu.vector_load %arg7[%swap3A_725, %swap3A_726, %swap3A_727] {strides = array<i32>} : memref<16x8x128xf32, #tpu.memory_space<vmem>>, vector<16xf32>,
      tpu.vector_store %arg7[%swap3A_725, %swap3A_726, %swap3A_727], %gather3A_723 {strides = array<i32>} : memref<16x8x128xf32, #tpu.memory_space<vmem>>, vector<16xf32>,
      %gather3A_729 = tpu.vector_load_idx %arg6[%broadcast_in_dim3A_55, %get3A_716] : memref<8x8192xf32, #tpu.memory_space<vmem>>[vector<16xi32>, vector<16xi32>], vector<16xf32>,
      %swap3A_730 = arith.constant 2 : i32
      %swap3A_731 = arith.index_cast %scan3A_375 : i32 to index
      %swap3A_732 = arith.index_cast %swap3A_730 : i32 to index
      %swap3A_733 = arith.constant 96 : index
      %swap3A_734 = tpu.vector_load %arg7[%swap3A_731, %swap3A_732, %swap3A_733] {strides = array<i32>} : memref<16x8x128xf32, #tpu.memory_space<vmem>>, vector<16xf32>,
      tpu.vector_store %arg7[%swap3A_731, %swap3A_732, %swap3A_733], %gather3A_729 {strides = array<i32>} : memref<16x8x128xf32, #tpu.memory_space<vmem>>, vector<16xf32>,
      %gather3A_735 = tpu.vector_load_idx %arg6[%broadcast_in_dim3A_57, %get3A_716] : memref<8x8192xf32, #tpu.memory_space<vmem>>[vector<16xi32>, vector<16xi32>], vector<16xf32>,
      %swap3A_736 = arith.constant 3 : i32
      %swap3A_737 = arith.index_cast %scan3A_375 : i32 to index
      %swap3A_738 = arith.index_cast %swap3A_736 : i32 to index
      %swap3A_739 = arith.constant 96 : index
      %swap3A_740 = tpu.vector_load %arg7[%swap3A_737, %swap3A_738, %swap3A_739] {strides = array<i32>} : memref<16x8x128xf32, #tpu.memory_space<vmem>>, vector<16xf32>,
      tpu.vector_store %arg7[%swap3A_737, %swap3A_738, %swap3A_739], %gather3A_735 {strides = array<i32>} : memref<16x8x128xf32, #tpu.memory_space<vmem>>, vector<16xf32>,
      %gather3A_741 = tpu.vector_load_idx %arg6[%broadcast_in_dim3A_59, %get3A_716] : memref<8x8192xf32, #tpu.memory_space<vmem>>[vector<16xi32>, vector<16xi32>], vector<16xf32>,
      %swap3A_742 = arith.constant 4 : i32
      %swap3A_743 = arith.index_cast %scan3A_375 : i32 to index
      %swap3A_744 = arith.index_cast %swap3A_742 : i32 to index
      %swap3A_745 = arith.constant 96 : index
      %swap3A_746 = tpu.vector_load %arg7[%swap3A_743, %swap3A_744, %swap3A_745] {strides = array<i32>} : memref<16x8x128xf32, #tpu.memory_space<vmem>>, vector<16xf32>,
      tpu.vector_store %arg7[%swap3A_743, %swap3A_744, %swap3A_745], %gather3A_741 {strides = array<i32>} : memref<16x8x128xf32, #tpu.memory_space<vmem>>, vector<16xf32>,
      %gather3A_747 = tpu.vector_load_idx %arg6[%broadcast_in_dim3A_61, %get3A_716] : memref<8x8192xf32, #tpu.memory_space<vmem>>[vector<16xi32>, vector<16xi32>], vector<16xf32>,
      %swap3A_748 = arith.constant 5 : i32
      %swap3A_749 = arith.index_cast %scan3A_375 : i32 to index
      %swap3A_750 = arith.index_cast %swap3A_748 : i32 to index
      %swap3A_751 = arith.constant 96 : index
      %swap3A_752 = tpu.vector_load %arg7[%swap3A_749, %swap3A_750, %swap3A_751] {strides = array<i32>} : memref<16x8x128xf32, #tpu.memory_space<vmem>>, vector<16xf32>,
      tpu.vector_store %arg7[%swap3A_749, %swap3A_750, %swap3A_751], %gather3A_747 {strides = array<i32>} : memref<16x8x128xf32, #tpu.memory_space<vmem>>, vector<16xf32>,
      %gather3A_753 = tpu.vector_load_idx %arg6[%broadcast_in_dim3A_63, %get3A_716] : memref<8x8192xf32, #tpu.memory_space<vmem>>[vector<16xi32>, vector<16xi32>], vector<16xf32>,
      %swap3A_754 = arith.constant 6 : i32
      %swap3A_755 = arith.index_cast %scan3A_375 : i32 to index
      %swap3A_756 = arith.index_cast %swap3A_754 : i32 to index
      %swap3A_757 = arith.constant 96 : index
      %swap3A_758 = tpu.vector_load %arg7[%swap3A_755, %swap3A_756, %swap3A_757] {strides = array<i32>} : memref<16x8x128xf32, #tpu.memory_space<vmem>>, vector<16xf32>,
      tpu.vector_store %arg7[%swap3A_755, %swap3A_756, %swap3A_757], %gather3A_753 {strides = array<i32>} : memref<16x8x128xf32, #tpu.memory_space<vmem>>, vector<16xf32>,
      %gather3A_759 = tpu.vector_load_idx %arg6[%broadcast_in_dim3A_65, %get3A_716] : memref<8x8192xf32, #tpu.memory_space<vmem>>[vector<16xi32>, vector<16xi32>], vector<16xf32>,
      %swap3A_760 = arith.constant 7 : i32
      %swap3A_761 = arith.index_cast %scan3A_375 : i32 to index
      %swap3A_762 = arith.index_cast %swap3A_760 : i32 to index
      %swap3A_763 = arith.constant 96 : index
      %swap3A_764 = tpu.vector_load %arg7[%swap3A_761, %swap3A_762, %swap3A_763] {strides = array<i32>} : memref<16x8x128xf32, #tpu.memory_space<vmem>>, vector<16xf32>,
      tpu.vector_store %arg7[%swap3A_761, %swap3A_762, %swap3A_763], %gather3A_759 {strides = array<i32>} : memref<16x8x128xf32, #tpu.memory_space<vmem>>, vector<16xf32>,
      %mul3A_765 = arith.constant 8 : i32
      %mul3A_766 = arith.muli %scan3A_375, %mul3A_765 : i32
      %add3A_767 = arith.constant 7 : i32
      %add3A_768 = arith.addi %mul3A_766, %add3A_767 : i32
      %mul3A_769 = arith.constant 16 : i32
      %mul3A_770 = arith.muli %add3A_768, %mul3A_769 : i32
      %get3A_771 = arith.index_cast %mul3A_770 : i32 to index
      %get3A_772 = tpu.vector_load %arg5[%get3A_771] {strides = array<i32>} : memref<2048xi32, #tpu.memory_space<vmem>>, vector<16xi32>,
      %gather3A_773 = tpu.vector_load_idx %arg6[%broadcast_in_dim3A_51, %get3A_772] : memref<8x8192xf32, #tpu.memory_space<vmem>>[vector<16xi32>, vector<16xi32>], vector<16xf32>,
      %swap3A_774 = arith.constant 0 : i32
      %swap3A_775 = arith.index_cast %scan3A_375 : i32 to index
      %swap3A_776 = arith.index_cast %swap3A_774 : i32 to index
      %swap3A_777 = arith.constant 112 : index
      %swap3A_778 = tpu.vector_load %arg7[%swap3A_775, %swap3A_776, %swap3A_777] {strides = array<i32>} : memref<16x8x128xf32, #tpu.memory_space<vmem>>, vector<16xf32>,
      tpu.vector_store %arg7[%swap3A_775, %swap3A_776, %swap3A_777], %gather3A_773 {strides = array<i32>} : memref<16x8x128xf32, #tpu.memory_space<vmem>>, vector<16xf32>,
      %gather3A_779 = tpu.vector_load_idx %arg6[%broadcast_in_dim3A_53, %get3A_772] : memref<8x8192xf32, #tpu.memory_space<vmem>>[vector<16xi32>, vector<16xi32>], vector<16xf32>,
      %swap3A_780 = arith.constant 1 : i32
      %swap3A_781 = arith.index_cast %scan3A_375 : i32 to index
      %swap3A_782 = arith.index_cast %swap3A_780 : i32 to index
      %swap3A_783 = arith.constant 112 : index
      %swap3A_784 = tpu.vector_load %arg7[%swap3A_781, %swap3A_782, %swap3A_783] {strides = array<i32>} : memref<16x8x128xf32, #tpu.memory_space<vmem>>, vector<16xf32>,
      tpu.vector_store %arg7[%swap3A_781, %swap3A_782, %swap3A_783], %gather3A_779 {strides = array<i32>} : memref<16x8x128xf32, #tpu.memory_space<vmem>>, vector<16xf32>,
      %gather3A_785 = tpu.vector_load_idx %arg6[%broadcast_in_dim3A_55, %get3A_772] : memref<8x8192xf32, #tpu.memory_space<vmem>>[vector<16xi32>, vector<16xi32>], vector<16xf32>,
      %swap3A_786 = arith.constant 2 : i32
      %swap3A_787 = arith.index_cast %scan3A_375 : i32 to index
      %swap3A_788 = arith.index_cast %swap3A_786 : i32 to index
      %swap3A_789 = arith.constant 112 : index
      %swap3A_790 = tpu.vector_load %arg7[%swap3A_787, %swap3A_788, %swap3A_789] {strides = array<i32>} : memref<16x8x128xf32, #tpu.memory_space<vmem>>, vector<16xf32>,
      tpu.vector_store %arg7[%swap3A_787, %swap3A_788, %swap3A_789], %gather3A_785 {strides = array<i32>} : memref<16x8x128xf32, #tpu.memory_space<vmem>>, vector<16xf32>,
      %gather3A_791 = tpu.vector_load_idx %arg6[%broadcast_in_dim3A_57, %get3A_772] : memref<8x8192xf32, #tpu.memory_space<vmem>>[vector<16xi32>, vector<16xi32>], vector<16xf32>,
      %swap3A_792 = arith.constant 3 : i32
      %swap3A_793 = arith.index_cast %scan3A_375 : i32 to index
      %swap3A_794 = arith.index_cast %swap3A_792 : i32 to index
      %swap3A_795 = arith.constant 112 : index
      %swap3A_796 = tpu.vector_load %arg7[%swap3A_793, %swap3A_794, %swap3A_795] {strides = array<i32>} : memref<16x8x128xf32, #tpu.memory_space<vmem>>, vector<16xf32>,
      tpu.vector_store %arg7[%swap3A_793, %swap3A_794, %swap3A_795], %gather3A_791 {strides = array<i32>} : memref<16x8x128xf32, #tpu.memory_space<vmem>>, vector<16xf32>,
      %gather3A_797 = tpu.vector_load_idx %arg6[%broadcast_in_dim3A_59, %get3A_772] : memref<8x8192xf32, #tpu.memory_space<vmem>>[vector<16xi32>, vector<16xi32>], vector<16xf32>,
      %swap3A_798 = arith.constant 4 : i32
      %swap3A_799 = arith.index_cast %scan3A_375 : i32 to index
      %swap3A_800 = arith.index_cast %swap3A_798 : i32 to index
      %swap3A_801 = arith.constant 112 : index
      %swap3A_802 = tpu.vector_load %arg7[%swap3A_799, %swap3A_800, %swap3A_801] {strides = array<i32>} : memref<16x8x128xf32, #tpu.memory_space<vmem>>, vector<16xf32>,
      tpu.vector_store %arg7[%swap3A_799, %swap3A_800, %swap3A_801], %gather3A_797 {strides = array<i32>} : memref<16x8x128xf32, #tpu.memory_space<vmem>>, vector<16xf32>,
      %gather3A_803 = tpu.vector_load_idx %arg6[%broadcast_in_dim3A_61, %get3A_772] : memref<8x8192xf32, #tpu.memory_space<vmem>>[vector<16xi32>, vector<16xi32>], vector<16xf32>,
      %swap3A_804 = arith.constant 5 : i32
      %swap3A_805 = arith.index_cast %scan3A_375 : i32 to index
      %swap3A_806 = arith.index_cast %swap3A_804 : i32 to index
      %swap3A_807 = arith.constant 112 : index
      %swap3A_808 = tpu.vector_load %arg7[%swap3A_805, %swap3A_806, %swap3A_807] {strides = array<i32>} : memref<16x8x128xf32, #tpu.memory_space<vmem>>, vector<16xf32>,
      tpu.vector_store %arg7[%swap3A_805, %swap3A_806, %swap3A_807], %gather3A_803 {strides = array<i32>} : memref<16x8x128xf32, #tpu.memory_space<vmem>>, vector<16xf32>,
      %gather3A_809 = tpu.vector_load_idx %arg6[%broadcast_in_dim3A_63, %get3A_772] : memref<8x8192xf32, #tpu.memory_space<vmem>>[vector<16xi32>, vector<16xi32>], vector<16xf32>,
      %swap3A_810 = arith.constant 6 : i32
      %swap3A_811 = arith.index_cast %scan3A_375 : i32 to index
      %swap3A_812 = arith.index_cast %swap3A_810 : i32 to index
      %swap3A_813 = arith.constant 112 : index
      %swap3A_814 = tpu.vector_load %arg7[%swap3A_811, %swap3A_812, %swap3A_813] {strides = array<i32>} : memref<16x8x128xf32, #tpu.memory_space<vmem>>, vector<16xf32>,
      tpu.vector_store %arg7[%swap3A_811, %swap3A_812, %swap3A_813], %gather3A_809 {strides = array<i32>} : memref<16x8x128xf32, #tpu.memory_space<vmem>>, vector<16xf32>,
      %gather3A_815 = tpu.vector_load_idx %arg6[%broadcast_in_dim3A_65, %get3A_772] : memref<8x8192xf32, #tpu.memory_space<vmem>>[vector<16xi32>, vector<16xi32>], vector<16xf32>,
      %swap3A_816 = arith.constant 7 : i32
      %swap3A_817 = arith.index_cast %scan3A_375 : i32 to index
      %swap3A_818 = arith.index_cast %swap3A_816 : i32 to index
      %swap3A_819 = arith.constant 112 : index
      %swap3A_820 = tpu.vector_load %arg7[%swap3A_817, %swap3A_818, %swap3A_819] {strides = array<i32>} : memref<16x8x128xf32, #tpu.memory_space<vmem>>, vector<16xf32>,
      tpu.vector_store %arg7[%swap3A_817, %swap3A_818, %swap3A_819], %gather3A_815 {strides = array<i32>} : memref<16x8x128xf32, #tpu.memory_space<vmem>>, vector<16xf32>,
      %mul3A_821 = arith.constant 8 : i32
      %mul3A_822 = arith.muli %mul3A_821, %select_n3A : i32
      %mul3A_823 = arith.constant 16 : i32
      %mul3A_824 = arith.muli %mul3A_823, %select_n3A_30 : i32
      %add3A_825 = arith.addi %mul3A_824, %scan3A_375 : i32
      %mul3A_826 = arith.constant 128 : i32
      %mul3A_827 = arith.muli %mul3A_826, %add3A_825 : i32
      %dma_start3A_828 = arith.constant 0 : i32
      %dma_start3A_829 = arith.constant 0 : i32
      %dma_start3A_830 = tpu.memref_slice %arg7[%scan3A_375, %dma_start3A_828, %dma_start3A_829] : memref<16x8x128xf32, #tpu.memory_space<vmem>> -> memref<1x8x128xf32, #tpu.memory_space<vmem>>
      %dma_start3A_831 = tpu.memref_squeeze %dma_start3A_830 : memref<1x8x128xf32, #tpu.memory_space<vmem>> -> memref<8x128xf32, #tpu.memory_space<vmem>>
      %dma_start3A_832 = tpu.memref_slice %arg4[%mul3A_822, %mul3A_827] : memref<64x8192xf32, #tpu.memory_space<hbm>> -> memref<8x128xf32, #tpu.memory_space<hbm>>
      %dma_start3A_833 = tpu.memref_slice %arg4[%mul3A_822, %mul3A_827] : memref<64x8192xf32, #tpu.memory_space<hbm>> -> memref<8x128xf32, #tpu.memory_space<hbm>>
      %dma_start3A_834 = arith.constant 0 : i32
      %dma_start3A_835 = arith.constant 0 : i32
      %dma_start3A_836 = tpu.memref_slice %arg7[%scan3A_375, %dma_start3A_834, %dma_start3A_835] : memref<16x8x128xf32, #tpu.memory_space<vmem>> -> memref<1x8x128xf32, #tpu.memory_space<vmem>>
      %dma_start3A_837 = tpu.memref_squeeze %dma_start3A_836 : memref<1x8x128xf32, #tpu.memory_space<vmem>> -> memref<8x128xf32, #tpu.memory_space<vmem>>
      tpu.enqueue_dma source(%dma_start3A_837 : memref<8x128xf32, #tpu.memory_space<vmem>>) target(%dma_start3A_833 : memref<8x128xf32, #tpu.memory_space<hbm>>) target_semaphore(%arg10 : memref<!tpu.dma_semaphore, #tpu.memory_space<semaphore_mem>>)
    }
    %scan3A_70 = arith.constant 16 : i32
    %mul3A_71 = arith.constant 8 : i32
    %mul3A_72 = arith.muli %mul3A_71, %select_n3A : i32
    %mul3A_73 = arith.constant 16 : i32
    %mul3A_74 = arith.muli %mul3A_73, %select_n3A_30 : i32
    %add3A_75 = arith.constant 0 : i32
    %add3A_76 = arith.addi %mul3A_74, %add3A_75 : i32
    %mul3A_77 = arith.constant 128 : i32
    %mul3A_78 = arith.muli %mul3A_77, %add3A_76 : i32
    %dma_wait3A_79 = arith.constant 0 : i32
    %dma_wait3A_80 = arith.constant 0 : i32
    %dma_wait3A_81 = arith.constant 0 : i32
    %dma_wait3A_82 = tpu.memref_slice %arg7[%dma_wait3A_79, %dma_wait3A_80, %dma_wait3A_81] : memref<16x8x128xf32, #tpu.memory_space<vmem>> -> memref<1x8x128xf32, #tpu.memory_space<vmem>>
    %dma_wait3A_83 = tpu.memref_squeeze %dma_wait3A_82 : memref<1x8x128xf32, #tpu.memory_space<vmem>> -> memref<8x128xf32, #tpu.memory_space<vmem>>
    %dma_wait3A_84 = tpu.memref_slice %arg4[%mul3A_72, %mul3A_78] : memref<64x8192xf32, #tpu.memory_space<hbm>> -> memref<8x128xf32, #tpu.memory_space<hbm>>
    %dma_wait3A_85 = tpu.memref_slice %arg4[%mul3A_72, %mul3A_78] : memref<64x8192xf32, #tpu.memory_space<hbm>> -> memref<8x128xf32, #tpu.memory_space<hbm>>
    %dma_wait3A_86 = arith.constant 0 : i32
    %dma_wait3A_87 = arith.constant 0 : i32
    %dma_wait3A_88 = tpu.memref_slice %arg7[%dma_wait3A_79, %dma_wait3A_86, %dma_wait3A_87] : memref<16x8x128xf32, #tpu.memory_space<vmem>> -> memref<1x8x128xf32, #tpu.memory_space<vmem>>
    %dma_wait3A_89 = tpu.memref_squeeze %dma_wait3A_88 : memref<1x8x128xf32, #tpu.memory_space<vmem>> -> memref<8x128xf32, #tpu.memory_space<vmem>>
    tpu.wait_dma2 semaphore(%arg10 : memref<!tpu.dma_semaphore, #tpu.memory_space<semaphore_mem>>) src(%dma_wait3A_89 : memref<8x128xf32, #tpu.memory_space<vmem>>) dst(%dma_wait3A_85 : memref<8x128xf32, #tpu.memory_space<hbm>>)
    %mul3A_90 = arith.constant 8 : i32
    %mul3A_91 = arith.muli %mul3A_90, %select_n3A : i32
    %mul3A_92 = arith.constant 16 : i32
    %mul3A_93 = arith.muli %mul3A_92, %select_n3A_30 : i32
    %add3A_94 = arith.constant 1 : i32
    %add3A_95 = arith.addi %mul3A_93, %add3A_94 : i32
    %mul3A_96 = arith.constant 128 : i32
    %mul3A_97 = arith.muli %mul3A_96, %add3A_95 : i32
    %dma_wait3A_98 = arith.constant 1 : i32
    %dma_wait3A_99 = arith.constant 0 : i32
    %dma_wait3A_100 = arith.constant 0 : i32
    %dma_wait3A_101 = tpu.memref_slice %arg7[%dma_wait3A_98, %dma_wait3A_99, %dma_wait3A_100] : memref<16x8x128xf32, #tpu.memory_space<vmem>> -> memref<1x8x128xf32, #tpu.memory_space<vmem>>
    %dma_wait3A_102 = tpu.memref_squeeze %dma_wait3A_101 : memref<1x8x128xf32, #tpu.memory_space<vmem>> -> memref<8x128xf32, #tpu.memory_space<vmem>>
    %dma_wait3A_103 = tpu.memref_slice %arg4[%mul3A_91, %mul3A_97] : memref<64x8192xf32, #tpu.memory_space<hbm>> -> memref<8x128xf32, #tpu.memory_space<hbm>>
    %dma_wait3A_104 = tpu.memref_slice %arg4[%mul3A_91, %mul3A_97] : memref<64x8192xf32, #tpu.memory_space<hbm>> -> memref<8x128xf32, #tpu.memory_space<hbm>>
    %dma_wait3A_105 = arith.constant 0 : i32
    %dma_wait3A_106 = arith.constant 0 : i32
    %dma_wait3A_107 = tpu.memref_slice %arg7[%dma_wait3A_98, %dma_wait3A_105, %dma_wait3A_106] : memref<16x8x128xf32, #tpu.memory_space<vmem>> -> memref<1x8x128xf32, #tpu.memory_space<vmem>>
    %dma_wait3A_108 = tpu.memref_squeeze %dma_wait3A_107 : memref<1x8x128xf32, #tpu.memory_space<vmem>> -> memref<8x128xf32, #tpu.memory_space<vmem>>
    tpu.wait_dma2 semaphore(%arg10 : memref<!tpu.dma_semaphore, #tpu.memory_space<semaphore_mem>>) src(%dma_wait3A_108 : memref<8x128xf32, #tpu.memory_space<vmem>>) dst(%dma_wait3A_104 : memref<8x128xf32, #tpu.memory_space<hbm>>)
    %mul3A_109 = arith.constant 8 : i32
    %mul3A_110 = arith.muli %mul3A_109, %select_n3A : i32
    %mul3A_111 = arith.constant 16 : i32
    %mul3A_112 = arith.muli %mul3A_111, %select_n3A_30 : i32
    %add3A_113 = arith.constant 2 : i32
    %add3A_114 = arith.addi %mul3A_112, %add3A_113 : i32
    %mul3A_115 = arith.constant 128 : i32
    %mul3A_116 = arith.muli %mul3A_115, %add3A_114 : i32
    %dma_wait3A_117 = arith.constant 2 : i32
    %dma_wait3A_118 = arith.constant 0 : i32
    %dma_wait3A_119 = arith.constant 0 : i32
    %dma_wait3A_120 = tpu.memref_slice %arg7[%dma_wait3A_117, %dma_wait3A_118, %dma_wait3A_119] : memref<16x8x128xf32, #tpu.memory_space<vmem>> -> memref<1x8x128xf32, #tpu.memory_space<vmem>>
    %dma_wait3A_121 = tpu.memref_squeeze %dma_wait3A_120 : memref<1x8x128xf32, #tpu.memory_space<vmem>> -> memref<8x128xf32, #tpu.memory_space<vmem>>
    %dma_wait3A_122 = tpu.memref_slice %arg4[%mul3A_110, %mul3A_116] : memref<64x8192xf32, #tpu.memory_space<hbm>> -> memref<8x128xf32, #tpu.memory_space<hbm>>
    %dma_wait3A_123 = tpu.memref_slice %arg4[%mul3A_110, %mul3A_116] : memref<64x8192xf32, #tpu.memory_space<hbm>> -> memref<8x128xf32, #tpu.memory_space<hbm>>
    %dma_wait3A_124 = arith.constant 0 : i32
    %dma_wait3A_125 = arith.constant 0 : i32
    %dma_wait3A_126 = tpu.memref_slice %arg7[%dma_wait3A_117, %dma_wait3A_124, %dma_wait3A_125] : memref<16x8x128xf32, #tpu.memory_space<vmem>> -> memref<1x8x128xf32, #tpu.memory_space<vmem>>
    %dma_wait3A_127 = tpu.memref_squeeze %dma_wait3A_126 : memref<1x8x128xf32, #tpu.memory_space<vmem>> -> memref<8x128xf32, #tpu.memory_space<vmem>>
    tpu.wait_dma2 semaphore(%arg10 : memref<!tpu.dma_semaphore, #tpu.memory_space<semaphore_mem>>) src(%dma_wait3A_127 : memref<8x128xf32, #tpu.memory_space<vmem>>) dst(%dma_wait3A_123 : memref<8x128xf32, #tpu.memory_space<hbm>>)
    %mul3A_128 = arith.constant 8 : i32
    %mul3A_129 = arith.muli %mul3A_128, %select_n3A : i32
    %mul3A_130 = arith.constant 16 : i32
    %mul3A_131 = arith.muli %mul3A_130, %select_n3A_30 : i32
    %add3A_132 = arith.constant 3 : i32
    %add3A_133 = arith.addi %mul3A_131, %add3A_132 : i32
    %mul3A_134 = arith.constant 128 : i32
    %mul3A_135 = arith.muli %mul3A_134, %add3A_133 : i32
    %dma_wait3A_136 = arith.constant 3 : i32
    %dma_wait3A_137 = arith.constant 0 : i32
    %dma_wait3A_138 = arith.constant 0 : i32
    %dma_wait3A_139 = tpu.memref_slice %arg7[%dma_wait3A_136, %dma_wait3A_137, %dma_wait3A_138] : memref<16x8x128xf32, #tpu.memory_space<vmem>> -> memref<1x8x128xf32, #tpu.memory_space<vmem>>
    %dma_wait3A_140 = tpu.memref_squeeze %dma_wait3A_139 : memref<1x8x128xf32, #tpu.memory_space<vmem>> -> memref<8x128xf32, #tpu.memory_space<vmem>>
    %dma_wait3A_141 = tpu.memref_slice %arg4[%mul3A_129, %mul3A_135] : memref<64x8192xf32, #tpu.memory_space<hbm>> -> memref<8x128xf32, #tpu.memory_space<hbm>>
    %dma_wait3A_142 = tpu.memref_slice %arg4[%mul3A_129, %mul3A_135] : memref<64x8192xf32, #tpu.memory_space<hbm>> -> memref<8x128xf32, #tpu.memory_space<hbm>>
    %dma_wait3A_143 = arith.constant 0 : i32
    %dma_wait3A_144 = arith.constant 0 : i32
    %dma_wait3A_145 = tpu.memref_slice %arg7[%dma_wait3A_136, %dma_wait3A_143, %dma_wait3A_144] : memref<16x8x128xf32, #tpu.memory_space<vmem>> -> memref<1x8x128xf32, #tpu.memory_space<vmem>>
    %dma_wait3A_146 = tpu.memref_squeeze %dma_wait3A_145 : memref<1x8x128xf32, #tpu.memory_space<vmem>> -> memref<8x128xf32, #tpu.memory_space<vmem>>
    tpu.wait_dma2 semaphore(%arg10 : memref<!tpu.dma_semaphore, #tpu.memory_space<semaphore_mem>>) src(%dma_wait3A_146 : memref<8x128xf32, #tpu.memory_space<vmem>>) dst(%dma_wait3A_142 : memref<8x128xf32, #tpu.memory_space<hbm>>)
    %mul3A_147 = arith.constant 8 : i32
    %mul3A_148 = arith.muli %mul3A_147, %select_n3A : i32
    %mul3A_149 = arith.constant 16 : i32
    %mul3A_150 = arith.muli %mul3A_149, %select_n3A_30 : i32
    %add3A_151 = arith.constant 4 : i32
    %add3A_152 = arith.addi %mul3A_150, %add3A_151 : i32
    %mul3A_153 = arith.constant 128 : i32
    %mul3A_154 = arith.muli %mul3A_153, %add3A_152 : i32
    %dma_wait3A_155 = arith.constant 4 : i32
    %dma_wait3A_156 = arith.constant 0 : i32
    %dma_wait3A_157 = arith.constant 0 : i32
    %dma_wait3A_158 = tpu.memref_slice %arg7[%dma_wait3A_155, %dma_wait3A_156, %dma_wait3A_157] : memref<16x8x128xf32, #tpu.memory_space<vmem>> -> memref<1x8x128xf32, #tpu.memory_space<vmem>>
    %dma_wait3A_159 = tpu.memref_squeeze %dma_wait3A_158 : memref<1x8x128xf32, #tpu.memory_space<vmem>> -> memref<8x128xf32, #tpu.memory_space<vmem>>
    %dma_wait3A_160 = tpu.memref_slice %arg4[%mul3A_148, %mul3A_154] : memref<64x8192xf32, #tpu.memory_space<hbm>> -> memref<8x128xf32, #tpu.memory_space<hbm>>
    %dma_wait3A_161 = tpu.memref_slice %arg4[%mul3A_148, %mul3A_154] : memref<64x8192xf32, #tpu.memory_space<hbm>> -> memref<8x128xf32, #tpu.memory_space<hbm>>
    %dma_wait3A_162 = arith.constant 0 : i32
    %dma_wait3A_163 = arith.constant 0 : i32
    %dma_wait3A_164 = tpu.memref_slice %arg7[%dma_wait3A_155, %dma_wait3A_162, %dma_wait3A_163] : memref<16x8x128xf32, #tpu.memory_space<vmem>> -> memref<1x8x128xf32, #tpu.memory_space<vmem>>
    %dma_wait3A_165 = tpu.memref_squeeze %dma_wait3A_164 : memref<1x8x128xf32, #tpu.memory_space<vmem>> -> memref<8x128xf32, #tpu.memory_space<vmem>>
    tpu.wait_dma2 semaphore(%arg10 : memref<!tpu.dma_semaphore, #tpu.memory_space<semaphore_mem>>) src(%dma_wait3A_165 : memref<8x128xf32, #tpu.memory_space<vmem>>) dst(%dma_wait3A_161 : memref<8x128xf32, #tpu.memory_space<hbm>>)
    %mul3A_166 = arith.constant 8 : i32
    %mul3A_167 = arith.muli %mul3A_166, %select_n3A : i32
    %mul3A_168 = arith.constant 16 : i32
    %mul3A_169 = arith.muli %mul3A_168, %select_n3A_30 : i32
    %add3A_170 = arith.constant 5 : i32
    %add3A_171 = arith.addi %mul3A_169, %add3A_170 : i32
    %mul3A_172 = arith.constant 128 : i32
    %mul3A_173 = arith.muli %mul3A_172, %add3A_171 : i32
    %dma_wait3A_174 = arith.constant 5 : i32
    %dma_wait3A_175 = arith.constant 0 : i32
    %dma_wait3A_176 = arith.constant 0 : i32
    %dma_wait3A_177 = tpu.memref_slice %arg7[%dma_wait3A_174, %dma_wait3A_175, %dma_wait3A_176] : memref<16x8x128xf32, #tpu.memory_space<vmem>> -> memref<1x8x128xf32, #tpu.memory_space<vmem>>
    %dma_wait3A_178 = tpu.memref_squeeze %dma_wait3A_177 : memref<1x8x128xf32, #tpu.memory_space<vmem>> -> memref<8x128xf32, #tpu.memory_space<vmem>>
    %dma_wait3A_179 = tpu.memref_slice %arg4[%mul3A_167, %mul3A_173] : memref<64x8192xf32, #tpu.memory_space<hbm>> -> memref<8x128xf32, #tpu.memory_space<hbm>>
    %dma_wait3A_180 = tpu.memref_slice %arg4[%mul3A_167, %mul3A_173] : memref<64x8192xf32, #tpu.memory_space<hbm>> -> memref<8x128xf32, #tpu.memory_space<hbm>>
    %dma_wait3A_181 = arith.constant 0 : i32
    %dma_wait3A_182 = arith.constant 0 : i32
    %dma_wait3A_183 = tpu.memref_slice %arg7[%dma_wait3A_174, %dma_wait3A_181, %dma_wait3A_182] : memref<16x8x128xf32, #tpu.memory_space<vmem>> -> memref<1x8x128xf32, #tpu.memory_space<vmem>>
    %dma_wait3A_184 = tpu.memref_squeeze %dma_wait3A_183 : memref<1x8x128xf32, #tpu.memory_space<vmem>> -> memref<8x128xf32, #tpu.memory_space<vmem>>
    tpu.wait_dma2 semaphore(%arg10 : memref<!tpu.dma_semaphore, #tpu.memory_space<semaphore_mem>>) src(%dma_wait3A_184 : memref<8x128xf32, #tpu.memory_space<vmem>>) dst(%dma_wait3A_180 : memref<8x128xf32, #tpu.memory_space<hbm>>)
    %mul3A_185 = arith.constant 8 : i32
    %mul3A_186 = arith.muli %mul3A_185, %select_n3A : i32
    %mul3A_187 = arith.constant 16 : i32
    %mul3A_188 = arith.muli %mul3A_187, %select_n3A_30 : i32
    %add3A_189 = arith.constant 6 : i32
    %add3A_190 = arith.addi %mul3A_188, %add3A_189 : i32
    %mul3A_191 = arith.constant 128 : i32
    %mul3A_192 = arith.muli %mul3A_191, %add3A_190 : i32
    %dma_wait3A_193 = arith.constant 6 : i32
    %dma_wait3A_194 = arith.constant 0 : i32
    %dma_wait3A_195 = arith.constant 0 : i32
    %dma_wait3A_196 = tpu.memref_slice %arg7[%dma_wait3A_193, %dma_wait3A_194, %dma_wait3A_195] : memref<16x8x128xf32, #tpu.memory_space<vmem>> -> memref<1x8x128xf32, #tpu.memory_space<vmem>>
    %dma_wait3A_197 = tpu.memref_squeeze %dma_wait3A_196 : memref<1x8x128xf32, #tpu.memory_space<vmem>> -> memref<8x128xf32, #tpu.memory_space<vmem>>
    %dma_wait3A_198 = tpu.memref_slice %arg4[%mul3A_186, %mul3A_192] : memref<64x8192xf32, #tpu.memory_space<hbm>> -> memref<8x128xf32, #tpu.memory_space<hbm>>
    %dma_wait3A_199 = tpu.memref_slice %arg4[%mul3A_186, %mul3A_192] : memref<64x8192xf32, #tpu.memory_space<hbm>> -> memref<8x128xf32, #tpu.memory_space<hbm>>
    %dma_wait3A_200 = arith.constant 0 : i32
    %dma_wait3A_201 = arith.constant 0 : i32
    %dma_wait3A_202 = tpu.memref_slice %arg7[%dma_wait3A_193, %dma_wait3A_200, %dma_wait3A_201] : memref<16x8x128xf32, #tpu.memory_space<vmem>> -> memref<1x8x128xf32, #tpu.memory_space<vmem>>
    %dma_wait3A_203 = tpu.memref_squeeze %dma_wait3A_202 : memref<1x8x128xf32, #tpu.memory_space<vmem>> -> memref<8x128xf32, #tpu.memory_space<vmem>>
    tpu.wait_dma2 semaphore(%arg10 : memref<!tpu.dma_semaphore, #tpu.memory_space<semaphore_mem>>) src(%dma_wait3A_203 : memref<8x128xf32, #tpu.memory_space<vmem>>) dst(%dma_wait3A_199 : memref<8x128xf32, #tpu.memory_space<hbm>>)
    %mul3A_204 = arith.constant 8 : i32
    %mul3A_205 = arith.muli %mul3A_204, %select_n3A : i32
    %mul3A_206 = arith.constant 16 : i32
    %mul3A_207 = arith.muli %mul3A_206, %select_n3A_30 : i32
    %add3A_208 = arith.constant 7 : i32
    %add3A_209 = arith.addi %mul3A_207, %add3A_208 : i32
    %mul3A_210 = arith.constant 128 : i32
    %mul3A_211 = arith.muli %mul3A_210, %add3A_209 : i32
    %dma_wait3A_212 = arith.constant 7 : i32
    %dma_wait3A_213 = arith.constant 0 : i32
    %dma_wait3A_214 = arith.constant 0 : i32
    %dma_wait3A_215 = tpu.memref_slice %arg7[%dma_wait3A_212, %dma_wait3A_213, %dma_wait3A_214] : memref<16x8x128xf32, #tpu.memory_space<vmem>> -> memref<1x8x128xf32, #tpu.memory_space<vmem>>
    %dma_wait3A_216 = tpu.memref_squeeze %dma_wait3A_215 : memref<1x8x128xf32, #tpu.memory_space<vmem>> -> memref<8x128xf32, #tpu.memory_space<vmem>>
    %dma_wait3A_217 = tpu.memref_slice %arg4[%mul3A_205, %mul3A_211] : memref<64x8192xf32, #tpu.memory_space<hbm>> -> memref<8x128xf32, #tpu.memory_space<hbm>>
    %dma_wait3A_218 = tpu.memref_slice %arg4[%mul3A_205, %mul3A_211] : memref<64x8192xf32, #tpu.memory_space<hbm>> -> memref<8x128xf32, #tpu.memory_space<hbm>>
    %dma_wait3A_219 = arith.constant 0 : i32
    %dma_wait3A_220 = arith.constant 0 : i32
    %dma_wait3A_221 = tpu.memref_slice %arg7[%dma_wait3A_212, %dma_wait3A_219, %dma_wait3A_220] : memref<16x8x128xf32, #tpu.memory_space<vmem>> -> memref<1x8x128xf32, #tpu.memory_space<vmem>>
    %dma_wait3A_222 = tpu.memref_squeeze %dma_wait3A_221 : memref<1x8x128xf32, #tpu.memory_space<vmem>> -> memref<8x128xf32, #tpu.memory_space<vmem>>
    tpu.wait_dma2 semaphore(%arg10 : memref<!tpu.dma_semaphore, #tpu.memory_space<semaphore_mem>>) src(%dma_wait3A_222 : memref<8x128xf32, #tpu.memory_space<vmem>>) dst(%dma_wait3A_218 : memref<8x128xf32, #tpu.memory_space<hbm>>)
    %mul3A_223 = arith.constant 8 : i32
    %mul3A_224 = arith.muli %mul3A_223, %select_n3A : i32
    %mul3A_225 = arith.constant 16 : i32
    %mul3A_226 = arith.muli %mul3A_225, %select_n3A_30 : i32
    %add3A_227 = arith.constant 8 : i32
    %add3A_228 = arith.addi %mul3A_226, %add3A_227 : i32
    %mul3A_229 = arith.constant 128 : i32
    %mul3A_230 = arith.muli %mul3A_229, %add3A_228 : i32
    %dma_wait3A_231 = arith.constant 8 : i32
    %dma_wait3A_232 = arith.constant 0 : i32
    %dma_wait3A_233 = arith.constant 0 : i32
    %dma_wait3A_234 = tpu.memref_slice %arg7[%dma_wait3A_231, %dma_wait3A_232, %dma_wait3A_233] : memref<16x8x128xf32, #tpu.memory_space<vmem>> -> memref<1x8x128xf32, #tpu.memory_space<vmem>>
    %dma_wait3A_235 = tpu.memref_squeeze %dma_wait3A_234 : memref<1x8x128xf32, #tpu.memory_space<vmem>> -> memref<8x128xf32, #tpu.memory_space<vmem>>
    %dma_wait3A_236 = tpu.memref_slice %arg4[%mul3A_224, %mul3A_230] : memref<64x8192xf32, #tpu.memory_space<hbm>> -> memref<8x128xf32, #tpu.memory_space<hbm>>
    %dma_wait3A_237 = tpu.memref_slice %arg4[%mul3A_224, %mul3A_230] : memref<64x8192xf32, #tpu.memory_space<hbm>> -> memref<8x128xf32, #tpu.memory_space<hbm>>
    %dma_wait3A_238 = arith.constant 0 : i32
    %dma_wait3A_239 = arith.constant 0 : i32
    %dma_wait3A_240 = tpu.memref_slice %arg7[%dma_wait3A_231, %dma_wait3A_238, %dma_wait3A_239] : memref<16x8x128xf32, #tpu.memory_space<vmem>> -> memref<1x8x128xf32, #tpu.memory_space<vmem>>
    %dma_wait3A_241 = tpu.memref_squeeze %dma_wait3A_240 : memref<1x8x128xf32, #tpu.memory_space<vmem>> -> memref<8x128xf32, #tpu.memory_space<vmem>>
    tpu.wait_dma2 semaphore(%arg10 : memref<!tpu.dma_semaphore, #tpu.memory_space<semaphore_mem>>) src(%dma_wait3A_241 : memref<8x128xf32, #tpu.memory_space<vmem>>) dst(%dma_wait3A_237 : memref<8x128xf32, #tpu.memory_space<hbm>>)
    %mul3A_242 = arith.constant 8 : i32
    %mul3A_243 = arith.muli %mul3A_242, %select_n3A : i32
    %mul3A_244 = arith.constant 16 : i32
    %mul3A_245 = arith.muli %mul3A_244, %select_n3A_30 : i32
    %add3A_246 = arith.constant 9 : i32
    %add3A_247 = arith.addi %mul3A_245, %add3A_246 : i32
    %mul3A_248 = arith.constant 128 : i32
    %mul3A_249 = arith.muli %mul3A_248, %add3A_247 : i32
    %dma_wait3A_250 = arith.constant 9 : i32
    %dma_wait3A_251 = arith.constant 0 : i32
    %dma_wait3A_252 = arith.constant 0 : i32
    %dma_wait3A_253 = tpu.memref_slice %arg7[%dma_wait3A_250, %dma_wait3A_251, %dma_wait3A_252] : memref<16x8x128xf32, #tpu.memory_space<vmem>> -> memref<1x8x128xf32, #tpu.memory_space<vmem>>
    %dma_wait3A_254 = tpu.memref_squeeze %dma_wait3A_253 : memref<1x8x128xf32, #tpu.memory_space<vmem>> -> memref<8x128xf32, #tpu.memory_space<vmem>>
    %dma_wait3A_255 = tpu.memref_slice %arg4[%mul3A_243, %mul3A_249] : memref<64x8192xf32, #tpu.memory_space<hbm>> -> memref<8x128xf32, #tpu.memory_space<hbm>>
    %dma_wait3A_256 = tpu.memref_slice %arg4[%mul3A_243, %mul3A_249] : memref<64x8192xf32, #tpu.memory_space<hbm>> -> memref<8x128xf32, #tpu.memory_space<hbm>>
    %dma_wait3A_257 = arith.constant 0 : i32
    %dma_wait3A_258 = arith.constant 0 : i32
    %dma_wait3A_259 = tpu.memref_slice %arg7[%dma_wait3A_250, %dma_wait3A_257, %dma_wait3A_258] : memref<16x8x128xf32, #tpu.memory_space<vmem>> -> memref<1x8x128xf32, #tpu.memory_space<vmem>>
    %dma_wait3A_260 = tpu.memref_squeeze %dma_wait3A_259 : memref<1x8x128xf32, #tpu.memory_space<vmem>> -> memref<8x128xf32, #tpu.memory_space<vmem>>
    tpu.wait_dma2 semaphore(%arg10 : memref<!tpu.dma_semaphore, #tpu.memory_space<semaphore_mem>>) src(%dma_wait3A_260 : memref<8x128xf32, #tpu.memory_space<vmem>>) dst(%dma_wait3A_256 : memref<8x128xf32, #tpu.memory_space<hbm>>)
    %mul3A_261 = arith.constant 8 : i32
    %mul3A_262 = arith.muli %mul3A_261, %select_n3A : i32
    %mul3A_263 = arith.constant 16 : i32
    %mul3A_264 = arith.muli %mul3A_263, %select_n3A_30 : i32
    %add3A_265 = arith.constant 10 : i32
    %add3A_266 = arith.addi %mul3A_264, %add3A_265 : i32
    %mul3A_267 = arith.constant 128 : i32
    %mul3A_268 = arith.muli %mul3A_267, %add3A_266 : i32
    %dma_wait3A_269 = arith.constant 10 : i32
    %dma_wait3A_270 = arith.constant 0 : i32
    %dma_wait3A_271 = arith.constant 0 : i32
    %dma_wait3A_272 = tpu.memref_slice %arg7[%dma_wait3A_269, %dma_wait3A_270, %dma_wait3A_271] : memref<16x8x128xf32, #tpu.memory_space<vmem>> -> memref<1x8x128xf32, #tpu.memory_space<vmem>>
    %dma_wait3A_273 = tpu.memref_squeeze %dma_wait3A_272 : memref<1x8x128xf32, #tpu.memory_space<vmem>> -> memref<8x128xf32, #tpu.memory_space<vmem>>
    %dma_wait3A_274 = tpu.memref_slice %arg4[%mul3A_262, %mul3A_268] : memref<64x8192xf32, #tpu.memory_space<hbm>> -> memref<8x128xf32, #tpu.memory_space<hbm>>
    %dma_wait3A_275 = tpu.memref_slice %arg4[%mul3A_262, %mul3A_268] : memref<64x8192xf32, #tpu.memory_space<hbm>> -> memref<8x128xf32, #tpu.memory_space<hbm>>
    %dma_wait3A_276 = arith.constant 0 : i32
    %dma_wait3A_277 = arith.constant 0 : i32
    %dma_wait3A_278 = tpu.memref_slice %arg7[%dma_wait3A_269, %dma_wait3A_276, %dma_wait3A_277] : memref<16x8x128xf32, #tpu.memory_space<vmem>> -> memref<1x8x128xf32, #tpu.memory_space<vmem>>
    %dma_wait3A_279 = tpu.memref_squeeze %dma_wait3A_278 : memref<1x8x128xf32, #tpu.memory_space<vmem>> -> memref<8x128xf32, #tpu.memory_space<vmem>>
    tpu.wait_dma2 semaphore(%arg10 : memref<!tpu.dma_semaphore, #tpu.memory_space<semaphore_mem>>) src(%dma_wait3A_279 : memref<8x128xf32, #tpu.memory_space<vmem>>) dst(%dma_wait3A_275 : memref<8x128xf32, #tpu.memory_space<hbm>>)
    %mul3A_280 = arith.constant 8 : i32
    %mul3A_281 = arith.muli %mul3A_280, %select_n3A : i32
    %mul3A_282 = arith.constant 16 : i32
    %mul3A_283 = arith.muli %mul3A_282, %select_n3A_30 : i32
    %add3A_284 = arith.constant 11 : i32
    %add3A_285 = arith.addi %mul3A_283, %add3A_284 : i32
    %mul3A_286 = arith.constant 128 : i32
    %mul3A_287 = arith.muli %mul3A_286, %add3A_285 : i32
    %dma_wait3A_288 = arith.constant 11 : i32
    %dma_wait3A_289 = arith.constant 0 : i32
    %dma_wait3A_290 = arith.constant 0 : i32
    %dma_wait3A_291 = tpu.memref_slice %arg7[%dma_wait3A_288, %dma_wait3A_289, %dma_wait3A_290] : memref<16x8x128xf32, #tpu.memory_space<vmem>> -> memref<1x8x128xf32, #tpu.memory_space<vmem>>
    %dma_wait3A_292 = tpu.memref_squeeze %dma_wait3A_291 : memref<1x8x128xf32, #tpu.memory_space<vmem>> -> memref<8x128xf32, #tpu.memory_space<vmem>>
    %dma_wait3A_293 = tpu.memref_slice %arg4[%mul3A_281, %mul3A_287] : memref<64x8192xf32, #tpu.memory_space<hbm>> -> memref<8x128xf32, #tpu.memory_space<hbm>>
    %dma_wait3A_294 = tpu.memref_slice %arg4[%mul3A_281, %mul3A_287] : memref<64x8192xf32, #tpu.memory_space<hbm>> -> memref<8x128xf32, #tpu.memory_space<hbm>>
    %dma_wait3A_295 = arith.constant 0 : i32
    %dma_wait3A_296 = arith.constant 0 : i32
    %dma_wait3A_297 = tpu.memref_slice %arg7[%dma_wait3A_288, %dma_wait3A_295, %dma_wait3A_296] : memref<16x8x128xf32, #tpu.memory_space<vmem>> -> memref<1x8x128xf32, #tpu.memory_space<vmem>>
    %dma_wait3A_298 = tpu.memref_squeeze %dma_wait3A_297 : memref<1x8x128xf32, #tpu.memory_space<vmem>> -> memref<8x128xf32, #tpu.memory_space<vmem>>
    tpu.wait_dma2 semaphore(%arg10 : memref<!tpu.dma_semaphore, #tpu.memory_space<semaphore_mem>>) src(%dma_wait3A_298 : memref<8x128xf32, #tpu.memory_space<vmem>>) dst(%dma_wait3A_294 : memref<8x128xf32, #tpu.memory_space<hbm>>)
    %mul3A_299 = arith.constant 8 : i32
    %mul3A_300 = arith.muli %mul3A_299, %select_n3A : i32
    %mul3A_301 = arith.constant 16 : i32
    %mul3A_302 = arith.muli %mul3A_301, %select_n3A_30 : i32
    %add3A_303 = arith.constant 12 : i32
    %add3A_304 = arith.addi %mul3A_302, %add3A_303 : i32
    %mul3A_305 = arith.constant 128 : i32
    %mul3A_306 = arith.muli %mul3A_305, %add3A_304 : i32
    %dma_wait3A_307 = arith.constant 12 : i32
    %dma_wait3A_308 = arith.constant 0 : i32
    %dma_wait3A_309 = arith.constant 0 : i32
    %dma_wait3A_310 = tpu.memref_slice %arg7[%dma_wait3A_307, %dma_wait3A_308, %dma_wait3A_309] : memref<16x8x128xf32, #tpu.memory_space<vmem>> -> memref<1x8x128xf32, #tpu.memory_space<vmem>>
    %dma_wait3A_311 = tpu.memref_squeeze %dma_wait3A_310 : memref<1x8x128xf32, #tpu.memory_space<vmem>> -> memref<8x128xf32, #tpu.memory_space<vmem>>
    %dma_wait3A_312 = tpu.memref_slice %arg4[%mul3A_300, %mul3A_306] : memref<64x8192xf32, #tpu.memory_space<hbm>> -> memref<8x128xf32, #tpu.memory_space<hbm>>
    %dma_wait3A_313 = tpu.memref_slice %arg4[%mul3A_300, %mul3A_306] : memref<64x8192xf32, #tpu.memory_space<hbm>> -> memref<8x128xf32, #tpu.memory_space<hbm>>
    %dma_wait3A_314 = arith.constant 0 : i32
    %dma_wait3A_315 = arith.constant 0 : i32
    %dma_wait3A_316 = tpu.memref_slice %arg7[%dma_wait3A_307, %dma_wait3A_314, %dma_wait3A_315] : memref<16x8x128xf32, #tpu.memory_space<vmem>> -> memref<1x8x128xf32, #tpu.memory_space<vmem>>
    %dma_wait3A_317 = tpu.memref_squeeze %dma_wait3A_316 : memref<1x8x128xf32, #tpu.memory_space<vmem>> -> memref<8x128xf32, #tpu.memory_space<vmem>>
    tpu.wait_dma2 semaphore(%arg10 : memref<!tpu.dma_semaphore, #tpu.memory_space<semaphore_mem>>) src(%dma_wait3A_317 : memref<8x128xf32, #tpu.memory_space<vmem>>) dst(%dma_wait3A_313 : memref<8x128xf32, #tpu.memory_space<hbm>>)
    %mul3A_318 = arith.constant 8 : i32
    %mul3A_319 = arith.muli %mul3A_318, %select_n3A : i32
    %mul3A_320 = arith.constant 16 : i32
    %mul3A_321 = arith.muli %mul3A_320, %select_n3A_30 : i32
    %add3A_322 = arith.constant 13 : i32
    %add3A_323 = arith.addi %mul3A_321, %add3A_322 : i32
    %mul3A_324 = arith.constant 128 : i32
    %mul3A_325 = arith.muli %mul3A_324, %add3A_323 : i32
    %dma_wait3A_326 = arith.constant 13 : i32
    %dma_wait3A_327 = arith.constant 0 : i32
    %dma_wait3A_328 = arith.constant 0 : i32
    %dma_wait3A_329 = tpu.memref_slice %arg7[%dma_wait3A_326, %dma_wait3A_327, %dma_wait3A_328] : memref<16x8x128xf32, #tpu.memory_space<vmem>> -> memref<1x8x128xf32, #tpu.memory_space<vmem>>
    %dma_wait3A_330 = tpu.memref_squeeze %dma_wait3A_329 : memref<1x8x128xf32, #tpu.memory_space<vmem>> -> memref<8x128xf32, #tpu.memory_space<vmem>>
    %dma_wait3A_331 = tpu.memref_slice %arg4[%mul3A_319, %mul3A_325] : memref<64x8192xf32, #tpu.memory_space<hbm>> -> memref<8x128xf32, #tpu.memory_space<hbm>>
    %dma_wait3A_332 = tpu.memref_slice %arg4[%mul3A_319, %mul3A_325] : memref<64x8192xf32, #tpu.memory_space<hbm>> -> memref<8x128xf32, #tpu.memory_space<hbm>>
    %dma_wait3A_333 = arith.constant 0 : i32
    %dma_wait3A_334 = arith.constant 0 : i32
    %dma_wait3A_335 = tpu.memref_slice %arg7[%dma_wait3A_326, %dma_wait3A_333, %dma_wait3A_334] : memref<16x8x128xf32, #tpu.memory_space<vmem>> -> memref<1x8x128xf32, #tpu.memory_space<vmem>>
    %dma_wait3A_336 = tpu.memref_squeeze %dma_wait3A_335 : memref<1x8x128xf32, #tpu.memory_space<vmem>> -> memref<8x128xf32, #tpu.memory_space<vmem>>
    tpu.wait_dma2 semaphore(%arg10 : memref<!tpu.dma_semaphore, #tpu.memory_space<semaphore_mem>>) src(%dma_wait3A_336 : memref<8x128xf32, #tpu.memory_space<vmem>>) dst(%dma_wait3A_332 : memref<8x128xf32, #tpu.memory_space<hbm>>)
    %mul3A_337 = arith.constant 8 : i32
    %mul3A_338 = arith.muli %mul3A_337, %select_n3A : i32
    %mul3A_339 = arith.constant 16 : i32
    %mul3A_340 = arith.muli %mul3A_339, %select_n3A_30 : i32
    %add3A_341 = arith.constant 14 : i32
    %add3A_342 = arith.addi %mul3A_340, %add3A_341 : i32
    %mul3A_343 = arith.constant 128 : i32
    %mul3A_344 = arith.muli %mul3A_343, %add3A_342 : i32
    %dma_wait3A_345 = arith.constant 14 : i32
    %dma_wait3A_346 = arith.constant 0 : i32
    %dma_wait3A_347 = arith.constant 0 : i32
    %dma_wait3A_348 = tpu.memref_slice %arg7[%dma_wait3A_345, %dma_wait3A_346, %dma_wait3A_347] : memref<16x8x128xf32, #tpu.memory_space<vmem>> -> memref<1x8x128xf32, #tpu.memory_space<vmem>>
    %dma_wait3A_349 = tpu.memref_squeeze %dma_wait3A_348 : memref<1x8x128xf32, #tpu.memory_space<vmem>> -> memref<8x128xf32, #tpu.memory_space<vmem>>
    %dma_wait3A_350 = tpu.memref_slice %arg4[%mul3A_338, %mul3A_344] : memref<64x8192xf32, #tpu.memory_space<hbm>> -> memref<8x128xf32, #tpu.memory_space<hbm>>
    %dma_wait3A_351 = tpu.memref_slice %arg4[%mul3A_338, %mul3A_344] : memref<64x8192xf32, #tpu.memory_space<hbm>> -> memref<8x128xf32, #tpu.memory_space<hbm>>
    %dma_wait3A_352 = arith.constant 0 : i32
    %dma_wait3A_353 = arith.constant 0 : i32
    %dma_wait3A_354 = tpu.memref_slice %arg7[%dma_wait3A_345, %dma_wait3A_352, %dma_wait3A_353] : memref<16x8x128xf32, #tpu.memory_space<vmem>> -> memref<1x8x128xf32, #tpu.memory_space<vmem>>
    %dma_wait3A_355 = tpu.memref_squeeze %dma_wait3A_354 : memref<1x8x128xf32, #tpu.memory_space<vmem>> -> memref<8x128xf32, #tpu.memory_space<vmem>>
    tpu.wait_dma2 semaphore(%arg10 : memref<!tpu.dma_semaphore, #tpu.memory_space<semaphore_mem>>) src(%dma_wait3A_355 : memref<8x128xf32, #tpu.memory_space<vmem>>) dst(%dma_wait3A_351 : memref<8x128xf32, #tpu.memory_space<hbm>>)
    %mul3A_356 = arith.constant 8 : i32
    %mul3A_357 = arith.muli %mul3A_356, %select_n3A : i32
    %mul3A_358 = arith.constant 16 : i32
    %mul3A_359 = arith.muli %mul3A_358, %select_n3A_30 : i32
    %add3A_360 = arith.constant 15 : i32
    %add3A_361 = arith.addi %mul3A_359, %add3A_360 : i32
    %mul3A_362 = arith.constant 128 : i32
    %mul3A_363 = arith.muli %mul3A_362, %add3A_361 : i32
    %dma_wait3A_364 = arith.constant 15 : i32
    %dma_wait3A_365 = arith.constant 0 : i32
    %dma_wait3A_366 = arith.constant 0 : i32
    %dma_wait3A_367 = tpu.memref_slice %arg7[%dma_wait3A_364, %dma_wait3A_365, %dma_wait3A_366] : memref<16x8x128xf32, #tpu.memory_space<vmem>> -> memref<1x8x128xf32, #tpu.memory_space<vmem>>
    %dma_wait3A_368 = tpu.memref_squeeze %dma_wait3A_367 : memref<1x8x128xf32, #tpu.memory_space<vmem>> -> memref<8x128xf32, #tpu.memory_space<vmem>>
    %dma_wait3A_369 = tpu.memref_slice %arg4[%mul3A_357, %mul3A_363] : memref<64x8192xf32, #tpu.memory_space<hbm>> -> memref<8x128xf32, #tpu.memory_space<hbm>>
    %dma_wait3A_370 = tpu.memref_slice %arg4[%mul3A_357, %mul3A_363] : memref<64x8192xf32, #tpu.memory_space<hbm>> -> memref<8x128xf32, #tpu.memory_space<hbm>>
    %dma_wait3A_371 = arith.constant 0 : i32
    %dma_wait3A_372 = arith.constant 0 : i32
    %dma_wait3A_373 = tpu.memref_slice %arg7[%dma_wait3A_364, %dma_wait3A_371, %dma_wait3A_372] : memref<16x8x128xf32, #tpu.memory_space<vmem>> -> memref<1x8x128xf32, #tpu.memory_space<vmem>>
    %dma_wait3A_374 = tpu.memref_squeeze %dma_wait3A_373 : memref<1x8x128xf32, #tpu.memory_space<vmem>> -> memref<8x128xf32, #tpu.memory_space<vmem>>
    tpu.wait_dma2 semaphore(%arg10 : memref<!tpu.dma_semaphore, #tpu.memory_space<semaphore_mem>>) src(%dma_wait3A_374 : memref<8x128xf32, #tpu.memory_space<vmem>>) dst(%dma_wait3A_370 : memref<8x128xf32, #tpu.memory_space<hbm>>)
    return
  }
}

</mosaic_0001>

<sc_bundles>
// kernel: kernel.3.cloned.1.call-start
scs
__scs_entry_jumppad:
0x0: {  	(pc) =	sbr.rel $0x88, $3  }
0x1: {  	(tag) =	ssettag $0x0;
	lr =	simm.s32 $0x1  }
0x2: {  	[smem:$0x3F9F] =	sst lr;
	_ =	strace $0xD0000000  }
0x3: {  	_ = 	snop  }
0x4: {  	_ = 	snop  }
0x5: {  	_ = 	snop  }
0x6: {  	_ = 	snop  }
0x7: {  	_ = 	snop  }
__scs_overlays_trampoline_lowered:
0x8: {  	[smem:$0x3FAE] =	sst s0  }
0x9: {  	[smem:$0x3FAF] =	sst s1  }
0xa: {  	[smem:$0x3FB0] =	sst s2  }
0xb: {  	[smem:$0x3FB1] =	sst s3  }
0xc: {  	[smem:$0x3FB2] =	sst s4  }
0xd: {  	[smem:$0x3FB3] =	sst s5  }
0xe: {  	[smem:$0x3FB4] =	sst s6  }
0xf: {  	[smem:$0x3FB5] =	sst s7  }
0x10: {  	[smem:$0x3FB6] =	sst s8  }
0x11: {  	[smem:$0x3FB7] =	sst s9;
	s0 =	simm.s32 @!p0 $0x0  }
0x12: {  	s1 =	sld [smem:$0x3F9D];
	s0 =	simm.s32 @p0 $0x1  }
0x13: {  	[smem:$0x3FB8] =	sst s0;
	s0 =	simm.s32 @!p1 $0x0  }
0x14: {  	s2 =	sld [smem:$0x3F9C];
	s0 =	simm.s32 @p1 $0x1  }
0x15: {  	[smem:$0x3FB9] =	sst s0;
	s0 =	simm.s32 @!p2 $0x0  }
0x16: {  	s3 =	sld [smem:$0x3FDB];
	s0 =	simm.s32 @p2 $0x1  }
0x17: {  	s4 =	simm.s32 $0x1BF5;
	[smem:$0x3FBB] =	sst s0  }
0x18: {  	s0 =	sld [smem:$0x3F9E];
	_ =	swait.ge [sflag:s4], $0x0  }
0x19: {  	s7 =	sld [smem:$0x3F9F]  }
0x1a: {  	s8 =	sadd.s32 $0xFFFFE003, lr  }
0x1b: {  	s9 =	sadd.s32 $0xFFFFFEF7, lr;
	s5 =	simm.s32 $0xFFFFFFFF;
	p2 =	slt.u32 s8, $0xFFFFF086  }
0x1c: {  	p1 =	slt.u32 s9, $0xF7A;
	s5 =	simm.s32 @!p2 $0x0  }
0x1d: {  	s5 =	simm.s32 @p1 $0x1;
	p0 =	seq.s32 s7, s2  }
0x1e: {  	s7 =	smul.u32 @!p0 $0xF7A, s2;
	p2 =	seq.s32 @!p0 s5, $0x0  }
0x1f: {  	s9 =	smul.u32 $0xF7A, s1;
	s8 =	simm.s32 @!p0 $0x1BF5;
	p2 =	por !p2, p0  }
0x20: {  	[sflag:s8] =	ssyncset.s32 @!p0 $0xFFFFF086;
	s6 =	sadd.s32 @!p0 s3, s7;
	s7 =	simm.s32 @!p0 $0x108  }
0x21: {  	s3 =	sadd.s32 s3, s9;
	s6 =	sadd.s32 @!p0 $0x88, s6;
	s7 =	simm.s32 @p2 $0x1082  }
0x22: {  	[simem:s7], [sflag:s8] =	dma.local @!p0 [hbm:s6], $0xF7A  }
0x23: {  	s9 =	sor.u32 $0xD0000000, s2;
	s6 =	simm.s32 $0x108;
	_ =	swait.ge @!p0 [sflag:s8], $0x0  }
0x24: {  	s3 =	sadd.s32 $0x88, s3;
	s6 =	simm.s32 @!p1 $0x1082;
	[sflag:s4] =	ssyncset.s32 $0xFFFFF086  }
0x25: {  	[simem:s6], [sflag:s4] =	dma.local [hbm:s3], $0xF7A  }
0x26: {  	[smem:$0x3F9F] =	sst s1;
	(tag) =	ssettag s2;
	_ =	strace s9  }
0x27: {  	s1 =	sld [smem:$0x3FAF]  }
0x28: {  	s2 =	sld [smem:$0x3FB0]  }
0x29: {  	s4 =	sld [smem:$0x3FB2]  }
0x2a: {  	p0 =	seq.s32 s5, $0x0;
	s5 =	sld [smem:$0x3FB3]  }
0x2b: {  	s6 =	sld [smem:$0x3FB4]  }
0x2c: {  	s7 =	sld [smem:$0x3FB5]  }
0x2d: {  	s3 =	simm.s32 $0x108;
	s8 =	sld [smem:$0x3FB6]  }
0x2e: {  	s3 =	simm.s32 @!p0 $0x1082;
	s9 =	sld [smem:$0x3FB7]  }
0x2f: {  	lr =	sadd.s32 s0, s3;
	s0 =	sld [smem:$0x3FAE]  }
0x30: {  	s3 =	sld [smem:$0x3FB1]  }
0x31: {  	[smem:$0x3FBA] =	sst s10  }
0x32: {  	s10 =	sld [smem:$0x3FB8];
	_ =	sdelay $0x3  }
0x33: {  	p0 =	seq.s32 s10, $0x1;
	s10 =	sld [smem:$0x3FBA];
	_ =	sdelay $0x3  }
0x34: {  	[smem:$0x3FBA] =	sst s10  }
0x35: {  	s10 =	sld [smem:$0x3FB9];
	_ =	sdelay $0x3  }
0x36: {  	p1 =	seq.s32 s10, $0x1;
	s10 =	sld [smem:$0x3FBA];
	_ =	sdelay $0x3  }
0x37: {  	[smem:$0x3FBA] =	sst s10  }
0x38: {  	s10 =	sld [smem:$0x3FBB]  }
0x39: {  	_ = 	snop;
	(pc) =	sbr.ind lr, $3  }
0x3a: {  	_ = 	snop  }
0x3b: {  	_ = 	snop  }
0x3c: {  	p2 =	seq.s32 s10, $0x1;
	s10 =	sld [smem:$0x3FBA]  }
0x3d: {  	_ =	shalt  }
0x3e: {  	_ =	shalt  }
0x3f: {  	_ =	shalt  }
0x40: {  	_ =	shalt  }
0x41: {  	_ =	shalt  }
0x42: {  	_ =	shalt  }
0x43: {  	_ =	shalt  }
0x44: {  	_ =	shalt  }
0x45: {  	_ =	shalt  }
0x46: {  	_ =	shalt  }
0x47: {  	_ =	shalt  }
0x48: {  	_ =	shalt  }
0x49: {  	_ =	shalt  }
0x4a: {  	_ =	shalt  }
0x4b: {  	_ =	shalt  }
0x4c: {  	_ =	shalt  }
0x4d: {  	_ =	shalt  }
0x4e: {  	_ =	shalt  }
0x4f: {  	_ =	shalt  }
0x50: {  	_ =	shalt  }
0x51: {  	_ =	shalt  }
0x52: {  	_ =	shalt  }
0x53: {  	_ =	shalt  }
0x54: {  	_ =	shalt  }
0x55: {  	_ =	shalt  }
0x56: {  	_ =	shalt  }
0x57: {  	_ =	shalt  }
0x58: {  	_ =	shalt  }
0x59: {  	_ =	shalt  }
0x5a: {  	_ =	shalt  }
0x5b: {  	_ =	shalt  }
0x5c: {  	_ =	shalt  }
0x5d: {  	_ =	shalt  }
0x5e: {  	_ =	shalt  }
0x5f: {  	_ =	shalt  }
0x60: {  	_ =	shalt  }
0x61: {  	_ =	shalt  }
0x62: {  	_ =	shalt  }
0x63: {  	_ =	shalt  }
0x64: {  	_ =	shalt  }
0x65: {  	_ =	shalt  }
0x66: {  	_ =	shalt  }
0x67: {  	_ =	shalt  }
0x68: {  	_ =	shalt  }
0x69: {  	_ =	shalt  }
0x6a: {  	_ =	shalt  }
0x6b: {  	_ =	shalt  }
0x6c: {  	_ =	shalt  }
0x6d: {  	_ =	shalt  }
0x6e: {  	_ =	shalt  }
0x6f: {  	_ =	shalt  }
0x70: {  	_ =	shalt  }
0x71: {  	_ =	shalt  }
0x72: {  	_ =	shalt  }
0x73: {  	_ =	shalt  }
0x74: {  	_ =	shalt  }
0x75: {  	_ =	shalt  }
0x76: {  	_ =	shalt  }
0x77: {  	_ =	shalt  }
0x78: {  	_ =	shalt  }
0x79: {  	_ =	shalt  }
0x7a: {  	_ =	shalt  }
0x7b: {  	_ =	shalt  }
0x7c: {  	_ =	shalt  }
0x7d: {  	_ =	shalt  }
0x7e: {  	_ =	shalt  }
0x7f: {  	_ =	shalt  }
0x80: {  	_ =	shalt  }
0x81: {  	_ =	shalt  }
0x82: {  	_ =	shalt  }
0x83: {  	_ =	shalt  }
0x84: {  	_ =	shalt  }
0x85: {  	_ =	shalt  }
0x86: {  	_ =	shalt  }
0x87: {  	_ =	shalt  }
.Lfunc_end0:
.L_simem_size_0:
called_computation_lowered:
.L_overlay_start_0:
0x88: {  	s2 =	sld [smem:$0x3FD9]  }
0x89: {  	s3 =	sld [smem:$0x3FFE];
	_ =	sdelay $0x1  }
0x8a: {  	s1 =	srdreg.scid  }
0x8b: {  	s0 =	sand.u32 $0x1, s1  }
0x8c: {  	s18 =	sshll.u32 s0, $0xA;
	s2 =	sadd.s32 s3, s2  }
0x8d: {  	s2 =	sadd.s32 s2, s18  }
0x8e: {  	[smem:$0x3FC6] =	sst s2  }
0x8f: {  	_ = 	snop  }
0x90: {  	s2 =	sld [smem:$0x3FC9]  }
0x91: {  	s19 =	sld [smem:$0x3FC8]  }
0x92: {  	s4 =	sld [smem:$0x3FD0];
	(tm) =	ssettm $0x1  }
0x93: {  	s5 =	sld [smem:$0x3FFB];
	_ =	sdelay $0x3  }
0x94: {  	_ =	strace s5  }
0x95: {  	s5 =	sld [smem:$0x3FFC];
	_ =	sdelay $0x3  }
0x96: {  	_ =	strace s5  }
0x97: {  	s5 =	sld [smem:$0x3FFD];
	_ =	sdelay $0x3  }
0x98: {  	_ =	strace s5  }
0x99: {  	_ =	strace $0x8FFFFFFF  }
0x9a: {  	s20 =	sld [smem:$0x3FDB];
	_ =	sdelay $0x1  }
0x9b: {  	s6 =	simm.s32 $_scs_section_size  }
0x9c: {  	s7 =	simm.s32 $_size__tile_overlayer_lowered;
	s8 =	simm.s32 $_tile_overlayer_lowered  }
0x9d: {  	s23 =	simm.s32 $0x1BFF;
	s22 =	sshll.u32 s8, $0x1;
	s5 =	sadd.s32 s6, s20  }
0x9e: {  	s9 =	simm.s32 $0x0;
	s21 =	sshll.u32 s7, $0x1;
	s7 =	sadd.s32 s22, s5  }
0x9f: {  	[timem:s9], [sflag:s23] =	dma.local [hbm:s7], s21  }
0xa0: {  	_ =	swait.ge [sflag:s23], s21  }
0xa1: {  	s6 =	ssub.s32 $0x0, s21;
	[sflag:s23] =	ssyncset.done $0x0  }
0xa2: {  	[sflag:s23] =	ssyncadd.s32 s6;
	_ =	sdelay $0x1  }
0xa3: {  	s24 =	simm.s32 $0x1B8B  }
0xa4: {  	_ =	swait.ge [sflag:s24], $0x1  }
0xa5: {  	[sflag:s24] =	ssyncset.done $0x0  }
0xa6: {  	s25 =	simm.s32 $0x1B8E;
	[sflag:s24] =	ssyncadd.s32 $0xFFFFFFFF  }
0xa7: {  	s26 =	simm.s32 $execute0_lowered;
	[smem:$0x3FD2] =	sst s25  }
0xa8: {  	s6 =	sshll.u32 s26, $0x1;
	_ =	strace $0x80000046;
	[dreg:$0x1] =	wrdreg $0xFFFFFFFF  }
0xa9: {  	s28 =	simm.s32 $_size_execute0_lowered;
	s5 =	sadd.s32 s5, s6;
	[dreg:$0x0] =	wrdreg $0x0  }
0xaa: {  	s6 =	sshll.u32 s28, $0x1;
	[dreg:$0x2] =	wrdreg s5  }
0xab: {  	[dreg:$0x3] =	wrdreg s6  }
0xac: {  	[dreg:$0x4] =	wrdreg $0xC0  }
0xad: {  	_ =	task [dreg:s9], $0x5FFFF  }
0xae: {  	[dreg:$0x1] =	wrdreg $0xFFFFFFFF  }
0xaf: {  	[dreg:$0x0] =	wrdreg $0x60  }
0xb0: {  	[dreg:$0x2] =	wrdreg s2  }
0xb1: {  	[dreg:$0x3] =	wrdreg s19  }
0xb2: {  	[dreg:$0x4] =	wrdreg s4  }
0xb3: {  	[dreg:$0x5] =	wrdreg $0x9  }
0xb4: {  	_ =	task.clear_ibuf [dreg:s9], $0x6FFFF;
	_ =	strace $0x90000046  }
0xb5: {  	s29 =	simm.s32 $0x9;
	_ =	strace $0x80000048  }
0xb6: {  	_ =	swait.ge [sflag:s29], $0x1  }
0xb7: {  	[sflag:s29] =	ssyncadd.s32 $0xFFFFFFFF  }
0xb8: {  	_ =	strace $0x90000048  }
0xb9: {  	_ =	sfence  }
0xba: {  	s30 =	sld [smem:$0x0];
	_ =	sdelay $0x2  }
0xbb: {  	s31 =	sshll.u32 s1, $0xD;
	s1 =	sshrl.u32 s1, $0x2  }
0xbc: {  	s3 =	sand.u32 $0x4000, s31;
	s1 =	sadd.s32 s1, s30  }
0xbd: {  	s0 =	sor.u32 s3, s0;
	s1 =	sshll.u32 s1, $0x11  }
0xbe: {  	s0 =	sor.u32 s1, s0  }
0xbf: {  	s0 =	sadd.s32 $0x8F2B, s0  }
0xc0: {  	[sflag:s0] =	ssyncadd.remote.s32 $0x1  }
0xc1: {  	_ =	sfence.sel $0xFFFF  }
0xc2: {  	[dreg:$0x0] =	wrdreg $0xFFFFFFFF;
	(pc) =	sbr.abs _section_cstart, $3  }
0xc3: {  	[dreg:$0x1] =	wrdreg $0xFFFFFFFF  }
0xc4: {  	_ =	task.clear_ibuf [dreg:s9], $0x2FFFF;
	_ =	strace $0x9FFFFFFF  }
0xc5: {  	(tm) =	ssettm $0x7FFFFFFF  }
tec
execute0_lowered:
.L_overlay_start_1:
0x0: {  	(tag) =	ssettag $0x1  }
0x1: {  	s4 =	rddreg [dreg:$0x0]  }
0x2: {  	s3 =	rddreg [dreg:$0x1]  }
0x3: {  	s0 =	srdreg.scid;
	s6 =	rddreg [dreg:$0x2];
	s2 =	simm.s32 $0x0  }
0x4: {  	s1 =	stileid.u32;
	s5 =	sand.u32 $0x1, s0;
	s0 =	rddreg [dreg:$0x3]  }
0x5: {  	s11 =	simm.s32 $0x0;
	[smem:$0x7FF] =	sst s2;
	s28 =	sshll.u32 s1, $0x1  }
0x6: {  	s9 =	sshll.u32 s1, $0xF;
	s10 =	sand.u32 $0x1, s1;
	s7 =	ssub.s32 $0x2, s5  }
0x7: {  	_ =	strace $0x80000047;
	s9 =	sand.u32 $0x70000, s9;
	s10 =	sshll.u32 s10, $0xF  }
0x8: {  	s8 =	sshrl.u32 s7, $0x1;
	s10 =	sor.u32 s10, s9;
	s29 =	sshrl.u32 s9, $0x3  }
0x9: {  	s9 =	simm.s32 $0x2;
	s7 =	ssub.s32 s7, s8;
	s8 =	sand.u32 $0x2, s28  }
0xa: {  	s4 =	sadd.s32 s4, s29;
	s8 =	sor.u32 s5, s8;
	s5 =	sshll.u32 s5, $0xE  }
0xb: {  	s8 =	sshll.u32 s8, $0x8;
	s30 =	sor.u32 s5, s10;
	s5 =	smax.u32 s7, $0x1  }
0xc: {  	s7 =	simm.s32 $0x800;
	s10 =	simm.s32 $0x3;
	s31 =	sshrl.u32 s30, $0x3  }
0xd: {  	s3 =	sadd.s32 s3, s8;
	s8 =	simm.s32 $0x1;
	s6 =	sadd.s32 s31, s6  }
.LBB2_1:
0xe: {  	[tilespmem:s2], [sflag:$0x1] =	stream.linear.gather [hbm4b:s3+s2], $0x800, $0x38;
	[tilespmem:$0x14800] =	vst v63  }
0xf: {  	_ = 	snop  }
0x10: {  	[tilespmem:s7], [sflag:$0x2] =	stream.linear.gather [hbm4b:s4+s2], $0x10000, $0x38;
	[tilespmem:$0x14800] =	vst v63  }
0x11: {  	_ =	swait.ge [sflag:s8], $0x800  }
0x12: {  	[sflag:s8] =	ssyncset.done $0x0  }
0x13: {  	[sflag:s8] =	ssyncadd.s32 $0xFFFFF800  }
0x14: {  	_ =	swait.ge [sflag:s9], $0x10000  }
0x15: {  	s12 =	simm.s32 $0x40;
	[sflag:s9] =	ssyncset.done $0x0  }
0x16: {  	s13 =	simm.s32 $0x10800;
	s14 =	simm.s32 $0x0;
	[sflag:s9] =	ssyncadd.s32 $0xFFFF0000  }
.LBB2_2:
0x17: {  	v0 =	vld [tilespmem:s12+$0xFFFFFFC0];
	_ =	sdelay $0x4  }
0x18: {  	v1 =	vshll.u32 v0, $0x3  }
0x19: {  	v0 =	vand.u32 $0x7F, v0;
	v1 =	vand.u32 $0xFFFFFC00, v1  }
0x1a: {  	v0 =	vor.u32 v0, v1;
	_ =	sdelay $0x4  }
0x1b: {  	v1 =	vld.idx.msk [tilespmem:v0+s7+$0x0], $0xffff  }
0x1c: {  	v2 =	vor.u32 $0x80, v0;
	_ =	sdelay $0x3  }
0x1d: {  	[tilespmem:s13+$0x0] =	vst v1  }
0x1e: {  	v1 =	vld.idx.msk [tilespmem:v2+s7+$0x0], $0xffff  }
0x1f: {  	v10 =	vor.u32 $0x100, v0;
	_ =	sdelay $0x3  }
0x20: {  	[tilespmem:s13+$0x80] =	vst v1  }
0x21: {  	v1 =	vld.idx.msk [tilespmem:v10+s7+$0x0], $0xffff  }
0x22: {  	v11 =	vor.u32 $0x180, v0;
	_ =	sdelay $0x3  }
0x23: {  	[tilespmem:s13+$0x100] =	vst v1  }
0x24: {  	v1 =	vld.idx.msk [tilespmem:v11+s7+$0x0], $0xffff  }
0x25: {  	v12 =	vor.u32 $0x200, v0;
	_ =	sdelay $0x3  }
0x26: {  	[tilespmem:s13+$0x180] =	vst v1  }
0x27: {  	v1 =	vld.idx.msk [tilespmem:v12+s7+$0x0], $0xffff  }
0x28: {  	v13 =	vor.u32 $0x280, v0;
	_ =	sdelay $0x3  }
0x29: {  	[tilespmem:s13+$0x200] =	vst v1  }
0x2a: {  	v1 =	vld.idx.msk [tilespmem:v13+s7+$0x0], $0xffff  }
0x2b: {  	v14 =	vor.u32 $0x300, v0;
	_ =	sdelay $0x3  }
0x2c: {  	[tilespmem:s13+$0x280] =	vst v1  }
0x2d: {  	v1 =	vld.idx.msk [tilespmem:v14+s7+$0x0], $0xffff  }
0x2e: {  	v0 =	vor.u32 $0x380, v0;
	_ =	sdelay $0x3  }
0x2f: {  	[tilespmem:s13+$0x300] =	vst v1  }
0x30: {  	v0 =	vld.idx.msk [tilespmem:v0+s7+$0x0], $0xffff;
	_ =	sdelay $0x4  }
0x31: {  	[tilespmem:s13+$0x380] =	vst v0  }
0x32: {  	v0 =	vld [tilespmem:s12+$0xFFFFFFD0];
	_ =	sdelay $0x4  }
0x33: {  	v15 =	vshll.u32 v0, $0x3  }
0x34: {  	v0 =	vand.u32 $0x7F, v0;
	v1 =	vand.u32 $0xFFFFFC00, v15  }
0x35: {  	v0 =	vor.u32 v0, v1;
	_ =	sdelay $0x4  }
0x36: {  	v1 =	vld.idx.msk [tilespmem:v0+s7+$0x0], $0xffff  }
0x37: {  	v16 =	vor.u32 $0x80, v0;
	_ =	sdelay $0x3  }
0x38: {  	[tilespmem:s13+$0x10] =	vst v1  }
0x39: {  	v1 =	vld.idx.msk [tilespmem:v16+s7+$0x0], $0xffff  }
0x3a: {  	v17 =	vor.u32 $0x100, v0;
	_ =	sdelay $0x3  }
0x3b: {  	[tilespmem:s13+$0x90] =	vst v1  }
0x3c: {  	v1 =	vld.idx.msk [tilespmem:v17+s7+$0x0], $0xffff  }
0x3d: {  	v18 =	vor.u32 $0x180, v0;
	_ =	sdelay $0x3  }
0x3e: {  	[tilespmem:s13+$0x110] =	vst v1  }
0x3f: {  	v1 =	vld.idx.msk [tilespmem:v18+s7+$0x0], $0xffff  }
0x40: {  	v19 =	vor.u32 $0x200, v0;
	_ =	sdelay $0x3  }
0x41: {  	[tilespmem:s13+$0x190] =	vst v1  }
0x42: {  	v1 =	vld.idx.msk [tilespmem:v19+s7+$0x0], $0xffff  }
0x43: {  	v20 =	vor.u32 $0x280, v0;
	_ =	sdelay $0x3  }
0x44: {  	[tilespmem:s13+$0x210] =	vst v1  }
0x45: {  	v1 =	vld.idx.msk [tilespmem:v20+s7+$0x0], $0xffff  }
0x46: {  	v21 =	vor.u32 $0x300, v0;
	_ =	sdelay $0x3  }
0x47: {  	[tilespmem:s13+$0x290] =	vst v1  }
0x48: {  	v1 =	vld.idx.msk [tilespmem:v21+s7+$0x0], $0xffff  }
0x49: {  	v0 =	vor.u32 $0x380, v0;
	_ =	sdelay $0x3  }
0x4a: {  	[tilespmem:s13+$0x310] =	vst v1  }
0x4b: {  	v0 =	vld.idx.msk [tilespmem:v0+s7+$0x0], $0xffff;
	_ =	sdelay $0x4  }
0x4c: {  	[tilespmem:s13+$0x390] =	vst v0  }
0x4d: {  	v0 =	vld [tilespmem:s12+$0xFFFFFFE0];
	_ =	sdelay $0x4  }
0x4e: {  	v22 =	vshll.u32 v0, $0x3  }
0x4f: {  	v0 =	vand.u32 $0x7F, v0;
	v1 =	vand.u32 $0xFFFFFC00, v22  }
0x50: {  	v0 =	vor.u32 v0, v1;
	_ =	sdelay $0x4  }
0x51: {  	v1 =	vld.idx.msk [tilespmem:v0+s7+$0x0], $0xffff  }
0x52: {  	v23 =	vor.u32 $0x80, v0;
	_ =	sdelay $0x3  }
0x53: {  	[tilespmem:s13+$0x20] =	vst v1  }
0x54: {  	v1 =	vld.idx.msk [tilespmem:v23+s7+$0x0], $0xffff  }
0x55: {  	v24 =	vor.u32 $0x100, v0;
	_ =	sdelay $0x3  }
0x56: {  	[tilespmem:s13+$0xA0] =	vst v1  }
0x57: {  	v1 =	vld.idx.msk [tilespmem:v24+s7+$0x0], $0xffff  }
0x58: {  	v25 =	vor.u32 $0x180, v0;
	_ =	sdelay $0x3  }
0x59: {  	[tilespmem:s13+$0x120] =	vst v1  }
0x5a: {  	v1 =	vld.idx.msk [tilespmem:v25+s7+$0x0], $0xffff  }
0x5b: {  	v26 =	vor.u32 $0x200, v0;
	_ =	sdelay $0x3  }
0x5c: {  	[tilespmem:s13+$0x1A0] =	vst v1  }
0x5d: {  	v1 =	vld.idx.msk [tilespmem:v26+s7+$0x0], $0xffff  }
0x5e: {  	v27 =	vor.u32 $0x280, v0;
	_ =	sdelay $0x3  }
0x5f: {  	[tilespmem:s13+$0x220] =	vst v1  }
0x60: {  	v1 =	vld.idx.msk [tilespmem:v27+s7+$0x0], $0xffff  }
0x61: {  	v28 =	vor.u32 $0x300, v0;
	_ =	sdelay $0x3  }
0x62: {  	[tilespmem:s13+$0x2A0] =	vst v1  }
0x63: {  	v1 =	vld.idx.msk [tilespmem:v28+s7+$0x0], $0xffff  }
0x64: {  	v0 =	vor.u32 $0x380, v0;
	_ =	sdelay $0x3  }
0x65: {  	[tilespmem:s13+$0x320] =	vst v1  }
0x66: {  	v0 =	vld.idx.msk [tilespmem:v0+s7+$0x0], $0xffff;
	_ =	sdelay $0x4  }
0x67: {  	[tilespmem:s13+$0x3A0] =	vst v0  }
0x68: {  	v0 =	vld [tilespmem:s12+$0xFFFFFFF0];
	_ =	sdelay $0x4  }
0x69: {  	v29 =	vshll.u32 v0, $0x3  }
0x6a: {  	v0 =	vand.u32 $0x7F, v0;
	v1 =	vand.u32 $0xFFFFFC00, v29  }
0x6b: {  	v0 =	vor.u32 v0, v1;
	_ =	sdelay $0x4  }
0x6c: {  	v1 =	vld.idx.msk [tilespmem:v0+s7+$0x0], $0xffff  }
0x6d: {  	v30 =	vor.u32 $0x80, v0;
	_ =	sdelay $0x3  }
0x6e: {  	[tilespmem:s13+$0x30] =	vst v1  }
0x6f: {  	v1 =	vld.idx.msk [tilespmem:v30+s7+$0x0], $0xffff  }
0x70: {  	v31 =	vor.u32 $0x100, v0;
	_ =	sdelay $0x3  }
0x71: {  	[tilespmem:s13+$0xB0] =	vst v1  }
0x72: {  	v1 =	vld.idx.msk [tilespmem:v31+s7+$0x0], $0xffff  }
0x73: {  	v32 =	vor.u32 $0x180, v0;
	_ =	sdelay $0x3  }
0x74: {  	[tilespmem:s13+$0x130] =	vst v1  }
0x75: {  	v1 =	vld.idx.msk [tilespmem:v32+s7+$0x0], $0xffff  }
0x76: {  	v33 =	vor.u32 $0x200, v0;
	_ =	sdelay $0x3  }
0x77: {  	[tilespmem:s13+$0x1B0] =	vst v1  }
0x78: {  	v1 =	vld.idx.msk [tilespmem:v33+s7+$0x0], $0xffff  }
0x79: {  	v34 =	vor.u32 $0x280, v0;
	_ =	sdelay $0x3  }
0x7a: {  	[tilespmem:s13+$0x230] =	vst v1  }
0x7b: {  	v1 =	vld.idx.msk [tilespmem:v34+s7+$0x0], $0xffff  }
0x7c: {  	v35 =	vor.u32 $0x300, v0;
	_ =	sdelay $0x3  }
0x7d: {  	[tilespmem:s13+$0x2B0] =	vst v1  }
0x7e: {  	v1 =	vld.idx.msk [tilespmem:v35+s7+$0x0], $0xffff  }
0x7f: {  	v0 =	vor.u32 $0x380, v0;
	_ =	sdelay $0x3  }
0x80: {  	[tilespmem:s13+$0x330] =	vst v1  }
0x81: {  	v0 =	vld.idx.msk [tilespmem:v0+s7+$0x0], $0xffff;
	_ =	sdelay $0x4  }
0x82: {  	[tilespmem:s13+$0x3B0] =	vst v0  }
0x83: {  	v0 =	vld [tilespmem:s12+$0x0];
	_ =	sdelay $0x4  }
0x84: {  	v36 =	vshll.u32 v0, $0x3  }
0x85: {  	v0 =	vand.u32 $0x7F, v0;
	v1 =	vand.u32 $0xFFFFFC00, v36  }
0x86: {  	v0 =	vor.u32 v0, v1;
	_ =	sdelay $0x4  }
0x87: {  	v1 =	vld.idx.msk [tilespmem:v0+s7+$0x0], $0xffff  }
0x88: {  	v37 =	vor.u32 $0x80, v0;
	_ =	sdelay $0x3  }
0x89: {  	[tilespmem:s13+$0x40] =	vst v1  }
0x8a: {  	v1 =	vld.idx.msk [tilespmem:v37+s7+$0x0], $0xffff  }
0x8b: {  	v38 =	vor.u32 $0x100, v0;
	_ =	sdelay $0x3  }
0x8c: {  	[tilespmem:s13+$0xC0] =	vst v1  }
0x8d: {  	v1 =	vld.idx.msk [tilespmem:v38+s7+$0x0], $0xffff  }
0x8e: {  	v39 =	vor.u32 $0x180, v0;
	_ =	sdelay $0x3  }
0x8f: {  	[tilespmem:s13+$0x140] =	vst v1  }
0x90: {  	v1 =	vld.idx.msk [tilespmem:v39+s7+$0x0], $0xffff  }
0x91: {  	v40 =	vor.u32 $0x200, v0;
	_ =	sdelay $0x3  }
0x92: {  	[tilespmem:s13+$0x1C0] =	vst v1  }
0x93: {  	v1 =	vld.idx.msk [tilespmem:v40+s7+$0x0], $0xffff  }
0x94: {  	v41 =	vor.u32 $0x280, v0;
	_ =	sdelay $0x3  }
0x95: {  	[tilespmem:s13+$0x240] =	vst v1  }
0x96: {  	v1 =	vld.idx.msk [tilespmem:v41+s7+$0x0], $0xffff  }
0x97: {  	v42 =	vor.u32 $0x300, v0;
	_ =	sdelay $0x3  }
0x98: {  	[tilespmem:s13+$0x2C0] =	vst v1  }
0x99: {  	v1 =	vld.idx.msk [tilespmem:v42+s7+$0x0], $0xffff  }
0x9a: {  	v0 =	vor.u32 $0x380, v0;
	_ =	sdelay $0x3  }
0x9b: {  	[tilespmem:s13+$0x340] =	vst v1  }
0x9c: {  	v0 =	vld.idx.msk [tilespmem:v0+s7+$0x0], $0xffff;
	_ =	sdelay $0x4  }
0x9d: {  	[tilespmem:s13+$0x3C0] =	vst v0  }
0x9e: {  	v0 =	vld [tilespmem:s12+$0x10];
	_ =	sdelay $0x4  }
0x9f: {  	v43 =	vshll.u32 v0, $0x3  }
0xa0: {  	v0 =	vand.u32 $0x7F, v0;
	v1 =	vand.u32 $0xFFFFFC00, v43  }
0xa1: {  	v0 =	vor.u32 v0, v1;
	_ =	sdelay $0x4  }
0xa2: {  	v1 =	vld.idx.msk [tilespmem:v0+s7+$0x0], $0xffff  }
0xa3: {  	v44 =	vor.u32 $0x80, v0;
	_ =	sdelay $0x3  }
0xa4: {  	[tilespmem:s13+$0x50] =	vst v1  }
0xa5: {  	v1 =	vld.idx.msk [tilespmem:v44+s7+$0x0], $0xffff  }
0xa6: {  	v45 =	vor.u32 $0x100, v0;
	_ =	sdelay $0x3  }
0xa7: {  	[tilespmem:s13+$0xD0] =	vst v1  }
0xa8: {  	v1 =	vld.idx.msk [tilespmem:v45+s7+$0x0], $0xffff  }
0xa9: {  	v46 =	vor.u32 $0x180, v0;
	_ =	sdelay $0x3  }
0xaa: {  	[tilespmem:s13+$0x150] =	vst v1  }
0xab: {  	v1 =	vld.idx.msk [tilespmem:v46+s7+$0x0], $0xffff  }
0xac: {  	v47 =	vor.u32 $0x200, v0;
	_ =	sdelay $0x3  }
0xad: {  	[tilespmem:s13+$0x1D0] =	vst v1  }
0xae: {  	v1 =	vld.idx.msk [tilespmem:v47+s7+$0x0], $0xffff  }
0xaf: {  	v48 =	vor.u32 $0x280, v0;
	_ =	sdelay $0x3  }
0xb0: {  	[tilespmem:s13+$0x250] =	vst v1  }
0xb1: {  	v1 =	vld.idx.msk [tilespmem:v48+s7+$0x0], $0xffff  }
0xb2: {  	v49 =	vor.u32 $0x300, v0;
	_ =	sdelay $0x3  }
0xb3: {  	[tilespmem:s13+$0x2D0] =	vst v1  }
0xb4: {  	v1 =	vld.idx.msk [tilespmem:v49+s7+$0x0], $0xffff  }
0xb5: {  	v0 =	vor.u32 $0x380, v0;
	_ =	sdelay $0x3  }
0xb6: {  	[tilespmem:s13+$0x350] =	vst v1  }
0xb7: {  	v0 =	vld.idx.msk [tilespmem:v0+s7+$0x0], $0xffff;
	_ =	sdelay $0x4  }
0xb8: {  	[tilespmem:s13+$0x3D0] =	vst v0  }
0xb9: {  	v0 =	vld [tilespmem:s12+$0x20];
	_ =	sdelay $0x4  }
0xba: {  	v50 =	vshll.u32 v0, $0x3  }
0xbb: {  	v0 =	vand.u32 $0x7F, v0;
	v1 =	vand.u32 $0xFFFFFC00, v50  }
0xbc: {  	v0 =	vor.u32 v0, v1;
	_ =	sdelay $0x4  }
0xbd: {  	v1 =	vld.idx.msk [tilespmem:v0+s7+$0x0], $0xffff  }
0xbe: {  	v51 =	vor.u32 $0x80, v0;
	_ =	sdelay $0x3  }
0xbf: {  	[tilespmem:s13+$0x60] =	vst v1  }
0xc0: {  	v1 =	vld.idx.msk [tilespmem:v51+s7+$0x0], $0xffff  }
0xc1: {  	v52 =	vor.u32 $0x100, v0;
	_ =	sdelay $0x3  }
0xc2: {  	[tilespmem:s13+$0xE0] =	vst v1  }
0xc3: {  	v1 =	vld.idx.msk [tilespmem:v52+s7+$0x0], $0xffff  }
0xc4: {  	v53 =	vor.u32 $0x180, v0;
	_ =	sdelay $0x3  }
0xc5: {  	[tilespmem:s13+$0x160] =	vst v1  }
0xc6: {  	v1 =	vld.idx.msk [tilespmem:v53+s7+$0x0], $0xffff  }
0xc7: {  	v54 =	vor.u32 $0x200, v0;
	_ =	sdelay $0x3  }
0xc8: {  	[tilespmem:s13+$0x1E0] =	vst v1  }
0xc9: {  	v1 =	vld.idx.msk [tilespmem:v54+s7+$0x0], $0xffff  }
0xca: {  	v55 =	vor.u32 $0x280, v0;
	_ =	sdelay $0x3  }
0xcb: {  	[tilespmem:s13+$0x260] =	vst v1  }
0xcc: {  	v1 =	vld.idx.msk [tilespmem:v55+s7+$0x0], $0xffff  }
0xcd: {  	v56 =	vor.u32 $0x300, v0;
	_ =	sdelay $0x3  }
0xce: {  	[tilespmem:s13+$0x2E0] =	vst v1  }
0xcf: {  	v1 =	vld.idx.msk [tilespmem:v56+s7+$0x0], $0xffff  }
0xd0: {  	v0 =	vor.u32 $0x380, v0;
	_ =	sdelay $0x3  }
0xd1: {  	[tilespmem:s13+$0x360] =	vst v1  }
0xd2: {  	v0 =	vld.idx.msk [tilespmem:v0+s7+$0x0], $0xffff;
	_ =	sdelay $0x4  }
0xd3: {  	[tilespmem:s13+$0x3E0] =	vst v0  }
0xd4: {  	v0 =	vld [tilespmem:s12+$0x30];
	_ =	sdelay $0x4  }
0xd5: {  	v57 =	vshll.u32 v0, $0x3  }
0xd6: {  	v0 =	vand.u32 $0x7F, v0;
	v1 =	vand.u32 $0xFFFFFC00, v57  }
0xd7: {  	v0 =	vor.u32 v0, v1;
	_ =	sdelay $0x4  }
0xd8: {  	v1 =	vld.idx.msk [tilespmem:v0+s7+$0x0], $0xffff  }
0xd9: {  	v58 =	vor.u32 $0x80, v0;
	_ =	sdelay $0x3  }
0xda: {  	[tilespmem:s13+$0x70] =	vst v1  }
0xdb: {  	v1 =	vld.idx.msk [tilespmem:v58+s7+$0x0], $0xffff  }
0xdc: {  	v59 =	vor.u32 $0x100, v0;
	_ =	sdelay $0x3  }
0xdd: {  	[tilespmem:s13+$0xF0] =	vst v1  }
0xde: {  	v1 =	vld.idx.msk [tilespmem:v59+s7+$0x0], $0xffff  }
0xdf: {  	v60 =	vor.u32 $0x180, v0;
	_ =	sdelay $0x3  }
0xe0: {  	[tilespmem:s13+$0x170] =	vst v1  }
0xe1: {  	v1 =	vld.idx.msk [tilespmem:v60+s7+$0x0], $0xffff  }
0xe2: {  	v61 =	vor.u32 $0x200, v0;
	_ =	sdelay $0x3  }
0xe3: {  	[tilespmem:s13+$0x1F0] =	vst v1  }
0xe4: {  	v1 =	vld.idx.msk [tilespmem:v61+s7+$0x0], $0xffff  }
0xe5: {  	v62 =	vor.u32 $0x280, v0;
	_ =	sdelay $0x3  }
0xe6: {  	[tilespmem:s13+$0x270] =	vst v1  }
0xe7: {  	v1 =	vld.idx.msk [tilespmem:v62+s7+$0x0], $0xffff  }
0xe8: {  	v63 =	vor.u32 $0x300, v0;
	_ =	sdelay $0x3  }
0xe9: {  	[tilespmem:s13+$0x2F0] =	vst v1  }
0xea: {  	v1 =	vld.idx.msk [tilespmem:v63+s7+$0x0], $0xffff  }
0xeb: {  	v0 =	vor.u32 $0x380, v0;
	_ =	sdelay $0x3  }
0xec: {  	[tilespmem:s13+$0x370] =	vst v1  }
0xed: {  	v0 =	vld.idx.msk [tilespmem:v0+s7+$0x0], $0xffff;
	_ =	sdelay $0x1  }
0xee: {  	p0 =	sne.s32 s14, $0x780  }
.Ltmp0:
0xef: {  	_ = 	snop;
	(pc) =	sbr.rel @p0 .LBB2_2-.Ltmp0, $4  }
0xf0: {  	_ = 	snop  }
0xf1: {  	s15 =	sadd.s32 s14, s6;
	[tilespmem:s13+$0x3F0] =	vst v0  }
0xf2: {  	[hbm4b:s15+s2] =	stream.linear.scatter [tilespmem:s13], [sflag:$0x3], $0x400, $0x38;
	[tilespmem:$0x14800] =	vst v63  }
0xf3: {  	s14 =	sadd.s32 $0x80, s14;
	s12 =	sadd.s32 $0x80, s12;
	s13 =	sadd.s32 $0x400, s13  }
0xf4: {  	_ =	swait.ge [sflag:s10], $0x400  }
0xf5: {  	[sflag:s10] =	ssyncset.done $0x0  }
0xf6: {  	[sflag:s10] =	ssyncadd.s32 $0xFFFFFC00  }
0xf7: {  	_ =	swait.ge [sflag:s10], $0x400  }
0xf8: {  	[sflag:s10] =	ssyncset.done $0x0  }
0xf9: {  	[sflag:s10] =	ssyncadd.s32 $0xFFFFFC00  }
0xfa: {  	_ =	swait.ge [sflag:s10], $0x400  }
0xfb: {  	[sflag:s10] =	ssyncset.done $0x0  }
0xfc: {  	[sflag:s10] =	ssyncadd.s32 $0xFFFFFC00  }
0xfd: {  	_ =	swait.ge [sflag:s10], $0x400  }
0xfe: {  	[sflag:s10] =	ssyncset.done $0x0  }
0xff: {  	[sflag:s10] =	ssyncadd.s32 $0xFFFFFC00  }
0x100: {  	_ =	swait.ge [sflag:s10], $0x400  }
0x101: {  	[sflag:s10] =	ssyncset.done $0x0  }
0x102: {  	[sflag:s10] =	ssyncadd.s32 $0xFFFFFC00  }
0x103: {  	_ =	swait.ge [sflag:s10], $0x400  }
0x104: {  	[sflag:s10] =	ssyncset.done $0x0  }
0x105: {  	[sflag:s10] =	ssyncadd.s32 $0xFFFFFC00  }
0x106: {  	_ =	swait.ge [sflag:s10], $0x400  }
0x107: {  	[sflag:s10] =	ssyncset.done $0x0  }
0x108: {  	[sflag:s10] =	ssyncadd.s32 $0xFFFFFC00  }
0x109: {  	_ =	swait.ge [sflag:s10], $0x400  }
0x10a: {  	[sflag:s10] =	ssyncset.done $0x0  }
0x10b: {  	[sflag:s10] =	ssyncadd.s32 $0xFFFFFC00  }
0x10c: {  	_ =	swait.ge [sflag:s10], $0x400  }
0x10d: {  	[sflag:s10] =	ssyncset.done $0x0  }
0x10e: {  	[sflag:s10] =	ssyncadd.s32 $0xFFFFFC00  }
0x10f: {  	_ =	swait.ge [sflag:s10], $0x400  }
0x110: {  	[sflag:s10] =	ssyncset.done $0x0  }
0x111: {  	[sflag:s10] =	ssyncadd.s32 $0xFFFFFC00  }
0x112: {  	_ =	swait.ge [sflag:s10], $0x400  }
0x113: {  	[sflag:s10] =	ssyncset.done $0x0  }
0x114: {  	[sflag:s10] =	ssyncadd.s32 $0xFFFFFC00  }
0x115: {  	_ =	swait.ge [sflag:s10], $0x400  }
0x116: {  	[sflag:s10] =	ssyncset.done $0x0  }
0x117: {  	[sflag:s10] =	ssyncadd.s32 $0xFFFFFC00  }
0x118: {  	_ =	swait.ge [sflag:s10], $0x400  }
0x119: {  	[sflag:s10] =	ssyncset.done $0x0  }
0x11a: {  	[sflag:s10] =	ssyncadd.s32 $0xFFFFFC00  }
0x11b: {  	_ =	swait.ge [sflag:s10], $0x400  }
0x11c: {  	[sflag:s10] =	ssyncset.done $0x0  }
0x11d: {  	s11 =	sadd.s32 $0x1, s11;
	[sflag:s10] =	ssyncadd.s32 $0xFFFFFC00  }
0x11e: {  	p0 =	sne.s32 s11, s5;
	_ =	swait.ge [sflag:s10], $0x400  }
.Ltmp1:
0x11f: {  	[sflag:s10] =	ssyncset.done $0x0;
	(pc) =	sbr.rel @p0 .LBB2_1-.Ltmp1, $4  }
0x120: {  	[sflag:s10] =	ssyncadd.s32 $0xFFFFFC00  }
0x121: {  	_ =	swait.ge [sflag:s10], $0x400  }
0x122: {  	[sflag:s10] =	ssyncset.done $0x0  }
0x123: {  	[sflag:s10] =	ssyncadd.s32 $0xFFFFFC00  }
0x124: {  	_ =	sfence.sel $0x180000  }
0x125: {  	[bflag:$0x0] =	sbarrier.arrive $0xFFFF  }
0x126: {  	p0 =	sne.s32 s1, $0x0;
	_ =	strace $0x90000047  }
0x127: {  	s0 =	sadd.s32 @!p0 $0x100000, s0;
	[bflag:$0x2] =	sbarrier.arrive $0xFFFF  }
0x128: {  	[sflag:s0] =	ssyncadd.tile.s32 @!p0 $0x1;
	_ =	shalt  }
.Lfunc_end2:
_tile_overlayer_lowered:
.L_overlay_start_2:
0x129: {  	(tag) =	ssettag $0x2  }
0x12a: {  	s0 =	rddreg [dreg:$0x0];
	s2 =	stileid.u32  }
0x12b: {  	s1 =	rddreg [dreg:$0x1];
	p0 =	sne.s32 s2, $0x0  }
0x12c: {  	s3 =	rddreg [dreg:$0x2];
	[bflag:$0x3] =	sbarrier.arrive $0xFFFF;
	s2 =	simm.s32 @!p0 $0x1C04  }
0x12d: {  	[timem:s3], [sflag:s2] =	dma.local @!p0 [hbm:s0], s1  }
0x12e: {  	s0 =	simm.s32 @!p0 $0x4  }
0x12f: {  	_ =	swait.ge @!p0 [sflag:s0], s1  }
0x130: {  	s1 =	ssub.s32 @!p0 $0x0, s1;
	[sflag:s0] =	ssyncset.done @!p0 $0x0  }
0x131: {  	[sflag:s0] =	ssyncadd.s32 @!p0 s1  }
0x132: {  	[bflag:$0x3] =	sbarrier.arrive $0xFFFF  }
0x133: {  	_ =	shalt  }

</sc_bundles>
